<compile_context>
chip_gen: v7x
topology: tpu7x:2x2x1
jax: 0.10.2.dev20260603
libtpu: 0.0.44.dev20260713+nightly
codegen_flags: <defaults>
</compile_context>

<pallas_src>
import functools

import jax
import jax.numpy as jnp
from jax import lax
from jax.experimental import pallas as pl
from jax.experimental.pallas import tpu as pltpu
from jax.experimental.pallas import tpu_sc as plsc

B = 16384
D = 512
L = 16
NC = 2
NS = 16
NW = NC * NS
ROWS_PER_W = B // NW
CH = 32
NCHUNK = ROWS_PER_W // CH


def _sqdist_partials(x, labels, centers):
    mesh = plsc.VectorSubcoreMesh(core_axis_name="c", subcore_axis_name="s")

    @functools.partial(
        pl.kernel,
        mesh=mesh,
        out_type=jax.ShapeDtypeStruct((NW, L), jnp.float32),
        scratch_types=[
            pltpu.VMEM((ROWS_PER_W,), jnp.int32),
            pltpu.VMEM((CH, D), jnp.float32),
            pltpu.VMEM((CH, D), jnp.float32),
            pltpu.VMEM((CH, D), jnp.float32),
            pltpu.VMEM((CH, D), jnp.float32),
            pltpu.VMEM((L,), jnp.float32),
            pltpu.SemaphoreType.DMA,
            pltpu.SemaphoreType.DMA,
            pltpu.SemaphoreType.DMA,
            pltpu.SemaphoreType.DMA,
            pltpu.SemaphoreType.DMA,
        ],
    )
    def body(x_hbm, lab_hbm, cen_hbm, out_hbm, idx_v, xb0, xb1, cb0, cb1,
             accbuf, sx0, sx1, sc0, sc1, sl):
        wid = lax.axis_index("s") * NC + lax.axis_index("c")
        base = wid * ROWS_PER_W
        xbufs, cbufs = (xb0, xb1), (cb0, cb1)
        sxs, scs = (sx0, sx1), (sc0, sc1)

        def x_copy(c, b):
            return pltpu.make_async_copy(
                x_hbm.at[pl.ds(base + c * CH, CH)], xbufs[b], sxs[b])

        def c_copy(c, b):
            return pltpu.make_async_copy(
                cen_hbm.at[idx_v.at[pl.ds(c * CH, CH)]], cbufs[b], scs[b])

        lab = pltpu.async_copy(lab_hbm.at[pl.ds(base, ROWS_PER_W)], idx_v, sl)
        x_copy(0, 0).start()
        x_copy(1, 1).start()
        lab.wait()
        c_copy(0, 0).start()
        c_copy(1, 1).start()

        def outer(ko, acc):
            for b in range(2):
                cidx = ko * 2 + b
                x_copy(cidx, b).wait()
                c_copy(cidx, b).wait()
                xbuf, cbuf = xbufs[b], cbufs[b]

                def row_body(r, a, xbuf=xbuf, cbuf=cbuf):
                    for f in range(D // L):
                        xd = xbuf[r, pl.ds(f * L, L)]
                        cd = cbuf[r, pl.ds(f * L, L)]
                        d = xd - cd
                        a = a + d * d
                    return a

                acc = lax.fori_loop(0, CH, row_body, acc)

                @pl.when(cidx + 2 < NCHUNK)
                def _issue():
                    x_copy(cidx + 2, b).start()
                    c_copy(cidx + 2, b).start()
            return acc

        acc = lax.fori_loop(0, NCHUNK // 2, outer, jnp.zeros((L,), jnp.float32))
        accbuf[...] = acc
        pltpu.sync_copy(accbuf, out_hbm.at[wid])

    return body(x, labels, centers)


def kernel(x, labels, centers):
    partials = _sqdist_partials(x, labels.astype(jnp.int32), centers)
    return jnp.sum(partials) / jnp.float32(B)

# --- scband reference (transcript-rebuilt; emitter-appended) ---
"""Pipeline reference for scband-center-loss-30030411334365 (READ-ONLY COPY).

The authoritative reference and input builder live on the scoring server;
editing this copy changes nothing except your own understanding.
"""

import jax, jax.numpy as jnp
import numpy as np


def setup_inputs(seed: int = 0) -> dict:
    key = jax.random.key(seed)
    k1, k2, k3 = jax.random.split(key, 3)
    x = jax.random.normal(k1, (16384, 512), dtype=jnp.float32)
    labels = jax.random.randint(k2, (16384,), 0, 10000, dtype=jnp.int64)
    centers = jax.random.normal(k3, (10000, 512), dtype=jnp.float32)
    return {"x": x, "labels": labels, "centers": centers}


def reference(x, labels, centers):
    center = jnp.take(centers, labels, axis=0)
    dist = jnp.sum(jnp.square(x - center), axis=-1)
    loss = jnp.mean(jnp.clip(dist, 1e-12, 1000000000000.0), axis=-1)
    return loss

if __name__ == "__main__":
    import jax
    _d = setup_inputs()
    print(jax.jit(kernel)(*tuple(_d.values())))

</pallas_src>

<mosaic_0001>
#map = affine_map<(d0, d1) -> (0, 0)>
#map1 = affine_map<(d0, d1) -> (0)>
module attributes {stable_mosaic.version = 14 : i64} {
  func.func @body(%arg0: i32, %arg1: i32, %arg2: memref<16384x512xf32, #tpu.memory_space<hbm>>, %arg3: memref<16384xi32, #tpu.memory_space<hbm>>, %arg4: memref<10000x512xf32, #tpu.memory_space<hbm>>, %arg5: memref<32x16xf32, #tpu.memory_space<hbm>>, %arg6: memref<512xi32, #tpu.memory_space<vmem>>, %arg7: memref<32x512xf32, #tpu.memory_space<vmem>>, %arg8: memref<32x512xf32, #tpu.memory_space<vmem>>, %arg9: memref<32x512xf32, #tpu.memory_space<vmem>>, %arg10: memref<32x512xf32, #tpu.memory_space<vmem>>, %arg11: memref<16xf32, #tpu.memory_space<vmem>>, %arg12: memref<!tpu.dma_semaphore, #tpu.memory_space<semaphore_mem>>, %arg13: memref<!tpu.dma_semaphore, #tpu.memory_space<semaphore_mem>>, %arg14: memref<!tpu.dma_semaphore, #tpu.memory_space<semaphore_mem>>, %arg15: memref<!tpu.dma_semaphore, #tpu.memory_space<semaphore_mem>>, %arg16: memref<!tpu.dma_semaphore, #tpu.memory_space<semaphore_mem>>) attributes {dimension_semantics = [#tpu.dimension_semantics<core_parallel>, #tpu.dimension_semantics<subcore_parallel>], iteration_bounds = array<i64: 2, 16>, scalar_prefetch = 0 : i64, scratch_operands = 11 : i64, tpu.core_type = #tpu.core_type<sc_vector_subcore>, window_params = [{transform_indices = #map}, {transform_indices = #map1}, {transform_indices = #map}, {transform_indices = #map}]} {
    %mul3A = arith.constant 2 : i32
    %mul3A_0 = arith.muli %arg1, %mul3A : i32
    %add3A = arith.addi %mul3A_0, %arg0 : i32
    %mul3A_1 = arith.constant 512 : i32
    %mul3A_2 = arith.muli %add3A, %mul3A_1 : i32
    %dma_start3A = tpu.memref_slice %arg3[%mul3A_2] : memref<16384xi32, #tpu.memory_space<hbm>> -> memref<512xi32, #tpu.memory_space<hbm>>
    %dma_start3A_3 = tpu.memref_slice %arg3[%mul3A_2] : memref<16384xi32, #tpu.memory_space<hbm>> -> memref<512xi32, #tpu.memory_space<hbm>>
    tpu.enqueue_dma source(%dma_start3A_3 : memref<512xi32, #tpu.memory_space<hbm>>) target(%arg6 : memref<512xi32, #tpu.memory_space<vmem>>) target_semaphore(%arg16 : memref<!tpu.dma_semaphore, #tpu.memory_space<semaphore_mem>>)
    %add3A_4 = arith.constant 0 : i32
    %add3A_5 = arith.addi %mul3A_2, %add3A_4 : i32
    %dma_start3A_6 = arith.constant 0 : i32
    %dma_start3A_7 = tpu.memref_slice %arg2[%add3A_5, %dma_start3A_6] : memref<16384x512xf32, #tpu.memory_space<hbm>> -> memref<32x512xf32, #tpu.memory_space<hbm>>
    %dma_start3A_8 = arith.constant 0 : i32
    %dma_start3A_9 = tpu.memref_slice %arg2[%add3A_5, %dma_start3A_8] : memref<16384x512xf32, #tpu.memory_space<hbm>> -> memref<32x512xf32, #tpu.memory_space<hbm>>
    tpu.enqueue_dma source(%dma_start3A_9 : memref<32x512xf32, #tpu.memory_space<hbm>>) target(%arg7 : memref<32x512xf32, #tpu.memory_space<vmem>>) target_semaphore(%arg12 : memref<!tpu.dma_semaphore, #tpu.memory_space<semaphore_mem>>)
    %add3A_10 = arith.constant 32 : i32
    %add3A_11 = arith.addi %mul3A_2, %add3A_10 : i32
    %dma_start3A_12 = arith.constant 0 : i32
    %dma_start3A_13 = tpu.memref_slice %arg2[%add3A_11, %dma_start3A_12] : memref<16384x512xf32, #tpu.memory_space<hbm>> -> memref<32x512xf32, #tpu.memory_space<hbm>>
    %dma_start3A_14 = arith.constant 0 : i32
    %dma_start3A_15 = tpu.memref_slice %arg2[%add3A_11, %dma_start3A_14] : memref<16384x512xf32, #tpu.memory_space<hbm>> -> memref<32x512xf32, #tpu.memory_space<hbm>>
    tpu.enqueue_dma source(%dma_start3A_15 : memref<32x512xf32, #tpu.memory_space<hbm>>) target(%arg8 : memref<32x512xf32, #tpu.memory_space<vmem>>) target_semaphore(%arg13 : memref<!tpu.dma_semaphore, #tpu.memory_space<semaphore_mem>>)
    %dma_wait3A = tpu.memref_slice %arg3[%mul3A_2] : memref<16384xi32, #tpu.memory_space<hbm>> -> memref<512xi32, #tpu.memory_space<hbm>>
    %dma_wait3A_16 = tpu.memref_slice %arg3[%mul3A_2] : memref<16384xi32, #tpu.memory_space<hbm>> -> memref<512xi32, #tpu.memory_space<hbm>>
    tpu.wait_dma2 semaphore(%arg16 : memref<!tpu.dma_semaphore, #tpu.memory_space<semaphore_mem>>) src(%dma_wait3A_16 : memref<512xi32, #tpu.memory_space<hbm>>) dst(%arg6 : memref<512xi32, #tpu.memory_space<vmem>>)
    %dma_start3A_17 = arith.constant 0 : i32
    %dma_start3A_18 = tpu.memref_slice %arg6[%dma_start3A_17] : memref<512xi32, #tpu.memory_space<vmem>> -> memref<32xi32, #tpu.memory_space<vmem>>
    %dma_start3A_19 = arith.constant 0 : i32
    %dma_start3A_20 = arith.constant 0 : i32
    %dma_start3A_21 = tpu.memref_slice %arg4[%dma_start3A_19, %dma_start3A_20] : memref<10000x512xf32, #tpu.memory_space<hbm>> -> memref<10000x512xf32, #tpu.memory_space<hbm>>
    tpu.enqueue_indirect_dma source(%dma_start3A_21 : memref<10000x512xf32, #tpu.memory_space<hbm>>) target(%arg9 : memref<32x512xf32, #tpu.memory_space<vmem>>) offsets(%dma_start3A_18 : memref<32xi32, #tpu.memory_space<vmem>>) semaphore(%arg14 : memref<!tpu.dma_semaphore, #tpu.memory_space<semaphore_mem>>)
    %dma_start3A_22 = arith.constant 32 : i32
    %dma_start3A_23 = tpu.memref_slice %arg6[%dma_start3A_22] : memref<512xi32, #tpu.memory_space<vmem>> -> memref<32xi32, #tpu.memory_space<vmem>>
    %dma_start3A_24 = arith.constant 0 : i32
    %dma_start3A_25 = arith.constant 0 : i32
    %dma_start3A_26 = tpu.memref_slice %arg4[%dma_start3A_24, %dma_start3A_25] : memref<10000x512xf32, #tpu.memory_space<hbm>> -> memref<10000x512xf32, #tpu.memory_space<hbm>>
    tpu.enqueue_indirect_dma source(%dma_start3A_26 : memref<10000x512xf32, #tpu.memory_space<hbm>>) target(%arg10 : memref<32x512xf32, #tpu.memory_space<vmem>>) offsets(%dma_start3A_23 : memref<32xi32, #tpu.memory_space<vmem>>) semaphore(%arg15 : memref<!tpu.dma_semaphore, #tpu.memory_space<semaphore_mem>>)
    %broadcast_in_dim3A = arith.constant 0.000000e+00 : f32
    %broadcast_in_dim3A_27 = vector.broadcast %broadcast_in_dim3A : f32 to vector<16xf32>
    %scan3A = arith.constant 0 : i32
    %scan3A_28 = arith.constant 8 : i32
    %scan3A_29 = arith.addi %scan3A, %scan3A_28 : i32
    %scan3A_30 = arith.constant 1 : i32
    %scan3A_31 = scf.for %scan3A_36 = %scan3A to %scan3A_29 step %scan3A_30 iter_args(%scan3A_37 = %broadcast_in_dim3A_27) -> (vector<16xf32>)  : i32 {
      %mul3A_38 = arith.constant 2 : i32
      %mul3A_39 = arith.muli %scan3A_36, %mul3A_38 : i32
      %add3A_40 = arith.constant 0 : i32
      %add3A_41 = arith.addi %mul3A_39, %add3A_40 : i32
      %mul3A_42 = arith.constant 32 : i32
      %mul3A_43 = arith.muli %add3A_41, %mul3A_42 : i32
      %add3A_44 = arith.addi %mul3A_2, %mul3A_43 : i32
      %dma_wait3A_45 = arith.constant 0 : i32
      %dma_wait3A_46 = tpu.memref_slice %arg2[%add3A_44, %dma_wait3A_45] : memref<16384x512xf32, #tpu.memory_space<hbm>> -> memref<32x512xf32, #tpu.memory_space<hbm>>
      %dma_wait3A_47 = arith.constant 0 : i32
      %dma_wait3A_48 = tpu.memref_slice %arg2[%add3A_44, %dma_wait3A_47] : memref<16384x512xf32, #tpu.memory_space<hbm>> -> memref<32x512xf32, #tpu.memory_space<hbm>>
      tpu.wait_dma2 semaphore(%arg12 : memref<!tpu.dma_semaphore, #tpu.memory_space<semaphore_mem>>) src(%dma_wait3A_48 : memref<32x512xf32, #tpu.memory_space<hbm>>) dst(%arg7 : memref<32x512xf32, #tpu.memory_space<vmem>>)
      %mul3A_49 = arith.constant 32 : i32
      %mul3A_50 = arith.muli %add3A_41, %mul3A_49 : i32
      %dma_wait3A_51 = tpu.memref_slice %arg6[%mul3A_50] : memref<512xi32, #tpu.memory_space<vmem>> -> memref<32xi32, #tpu.memory_space<vmem>>
      %dma_wait3A_52 = arith.constant 0 : i32
      %dma_wait3A_53 = arith.constant 0 : i32
      %dma_wait3A_54 = tpu.memref_slice %arg4[%dma_wait3A_52, %dma_wait3A_53] : memref<10000x512xf32, #tpu.memory_space<hbm>> -> memref<10000x512xf32, #tpu.memory_space<hbm>>
      tpu.wait_indirect_dma semaphore(%arg14 : memref<!tpu.dma_semaphore, #tpu.memory_space<semaphore_mem>>) src(%dma_wait3A_54 : memref<10000x512xf32, #tpu.memory_space<hbm>>) dst(%arg9 : memref<32x512xf32, #tpu.memory_space<vmem>>)
      %scan3A_55 = arith.constant 0 : i32
      %scan3A_56 = arith.constant 32 : i32
      %scan3A_57 = arith.addi %scan3A_55, %scan3A_56 : i32
      %scan3A_58 = arith.constant 1 : i32
      %scan3A_59 = scf.for %scan3A_95 = %scan3A_55 to %scan3A_57 step %scan3A_58 iter_args(%scan3A_96 = %scan3A_37) -> (vector<16xf32>)  : i32 {
        %get3A = arith.index_cast %scan3A_95 : i32 to index
        %get3A_97 = arith.constant 0 : index
        %get3A_98 = tpu.vector_load %arg7[%get3A, %get3A_97] {strides = array<i32>} : memref<32x512xf32, #tpu.memory_space<vmem>>, vector<1x16xf32>,
        %get3A_99 = vector.shape_cast %get3A_98 : vector<1x16xf32> to vector<16xf32>
        %get3A_100 = arith.index_cast %scan3A_95 : i32 to index
        %get3A_101 = arith.constant 0 : index
        %get3A_102 = tpu.vector_load %arg9[%get3A_100, %get3A_101] {strides = array<i32>} : memref<32x512xf32, #tpu.memory_space<vmem>>, vector<1x16xf32>,
        %get3A_103 = vector.shape_cast %get3A_102 : vector<1x16xf32> to vector<16xf32>
        %sub3A = arith.subf %get3A_99, %get3A_103 : vector<16xf32>
        %mul3A_104 = arith.mulf %sub3A, %sub3A : vector<16xf32>
        %add3A_105 = arith.addf %scan3A_96, %mul3A_104 : vector<16xf32>
        %get3A_106 = arith.index_cast %scan3A_95 : i32 to index
        %get3A_107 = arith.constant 16 : index
        %get3A_108 = tpu.vector_load %arg7[%get3A_106, %get3A_107] {strides = array<i32>} : memref<32x512xf32, #tpu.memory_space<vmem>>, vector<1x16xf32>,
        %get3A_109 = vector.shape_cast %get3A_108 : vector<1x16xf32> to vector<16xf32>
        %get3A_110 = arith.index_cast %scan3A_95 : i32 to index
        %get3A_111 = arith.constant 16 : index
        %get3A_112 = tpu.vector_load %arg9[%get3A_110, %get3A_111] {strides = array<i32>} : memref<32x512xf32, #tpu.memory_space<vmem>>, vector<1x16xf32>,
        %get3A_113 = vector.shape_cast %get3A_112 : vector<1x16xf32> to vector<16xf32>
        %sub3A_114 = arith.subf %get3A_109, %get3A_113 : vector<16xf32>
        %mul3A_115 = arith.mulf %sub3A_114, %sub3A_114 : vector<16xf32>
        %add3A_116 = arith.addf %add3A_105, %mul3A_115 : vector<16xf32>
        %get3A_117 = arith.index_cast %scan3A_95 : i32 to index
        %get3A_118 = arith.constant 32 : index
        %get3A_119 = tpu.vector_load %arg7[%get3A_117, %get3A_118] {strides = array<i32>} : memref<32x512xf32, #tpu.memory_space<vmem>>, vector<1x16xf32>,
        %get3A_120 = vector.shape_cast %get3A_119 : vector<1x16xf32> to vector<16xf32>
        %get3A_121 = arith.index_cast %scan3A_95 : i32 to index
        %get3A_122 = arith.constant 32 : index
        %get3A_123 = tpu.vector_load %arg9[%get3A_121, %get3A_122] {strides = array<i32>} : memref<32x512xf32, #tpu.memory_space<vmem>>, vector<1x16xf32>,
        %get3A_124 = vector.shape_cast %get3A_123 : vector<1x16xf32> to vector<16xf32>
        %sub3A_125 = arith.subf %get3A_120, %get3A_124 : vector<16xf32>
        %mul3A_126 = arith.mulf %sub3A_125, %sub3A_125 : vector<16xf32>
        %add3A_127 = arith.addf %add3A_116, %mul3A_126 : vector<16xf32>
        %get3A_128 = arith.index_cast %scan3A_95 : i32 to index
        %get3A_129 = arith.constant 48 : index
        %get3A_130 = tpu.vector_load %arg7[%get3A_128, %get3A_129] {strides = array<i32>} : memref<32x512xf32, #tpu.memory_space<vmem>>, vector<1x16xf32>,
        %get3A_131 = vector.shape_cast %get3A_130 : vector<1x16xf32> to vector<16xf32>
        %get3A_132 = arith.index_cast %scan3A_95 : i32 to index
        %get3A_133 = arith.constant 48 : index
        %get3A_134 = tpu.vector_load %arg9[%get3A_132, %get3A_133] {strides = array<i32>} : memref<32x512xf32, #tpu.memory_space<vmem>>, vector<1x16xf32>,
        %get3A_135 = vector.shape_cast %get3A_134 : vector<1x16xf32> to vector<16xf32>
        %sub3A_136 = arith.subf %get3A_131, %get3A_135 : vector<16xf32>
        %mul3A_137 = arith.mulf %sub3A_136, %sub3A_136 : vector<16xf32>
        %add3A_138 = arith.addf %add3A_127, %mul3A_137 : vector<16xf32>
        %get3A_139 = arith.index_cast %scan3A_95 : i32 to index
        %get3A_140 = arith.constant 64 : index
        %get3A_141 = tpu.vector_load %arg7[%get3A_139, %get3A_140] {strides = array<i32>} : memref<32x512xf32, #tpu.memory_space<vmem>>, vector<1x16xf32>,
        %get3A_142 = vector.shape_cast %get3A_141 : vector<1x16xf32> to vector<16xf32>
        %get3A_143 = arith.index_cast %scan3A_95 : i32 to index
        %get3A_144 = arith.constant 64 : index
        %get3A_145 = tpu.vector_load %arg9[%get3A_143, %get3A_144] {strides = array<i32>} : memref<32x512xf32, #tpu.memory_space<vmem>>, vector<1x16xf32>,
        %get3A_146 = vector.shape_cast %get3A_145 : vector<1x16xf32> to vector<16xf32>
        %sub3A_147 = arith.subf %get3A_142, %get3A_146 : vector<16xf32>
        %mul3A_148 = arith.mulf %sub3A_147, %sub3A_147 : vector<16xf32>
        %add3A_149 = arith.addf %add3A_138, %mul3A_148 : vector<16xf32>
        %get3A_150 = arith.index_cast %scan3A_95 : i32 to index
        %get3A_151 = arith.constant 80 : index
        %get3A_152 = tpu.vector_load %arg7[%get3A_150, %get3A_151] {strides = array<i32>} : memref<32x512xf32, #tpu.memory_space<vmem>>, vector<1x16xf32>,
        %get3A_153 = vector.shape_cast %get3A_152 : vector<1x16xf32> to vector<16xf32>
        %get3A_154 = arith.index_cast %scan3A_95 : i32 to index
        %get3A_155 = arith.constant 80 : index
        %get3A_156 = tpu.vector_load %arg9[%get3A_154, %get3A_155] {strides = array<i32>} : memref<32x512xf32, #tpu.memory_space<vmem>>, vector<1x16xf32>,
        %get3A_157 = vector.shape_cast %get3A_156 : vector<1x16xf32> to vector<16xf32>
        %sub3A_158 = arith.subf %get3A_153, %get3A_157 : vector<16xf32>
        %mul3A_159 = arith.mulf %sub3A_158, %sub3A_158 : vector<16xf32>
        %add3A_160 = arith.addf %add3A_149, %mul3A_159 : vector<16xf32>
        %get3A_161 = arith.index_cast %scan3A_95 : i32 to index
        %get3A_162 = arith.constant 96 : index
        %get3A_163 = tpu.vector_load %arg7[%get3A_161, %get3A_162] {strides = array<i32>} : memref<32x512xf32, #tpu.memory_space<vmem>>, vector<1x16xf32>,
        %get3A_164 = vector.shape_cast %get3A_163 : vector<1x16xf32> to vector<16xf32>
        %get3A_165 = arith.index_cast %scan3A_95 : i32 to index
        %get3A_166 = arith.constant 96 : index
        %get3A_167 = tpu.vector_load %arg9[%get3A_165, %get3A_166] {strides = array<i32>} : memref<32x512xf32, #tpu.memory_space<vmem>>, vector<1x16xf32>,
        %get3A_168 = vector.shape_cast %get3A_167 : vector<1x16xf32> to vector<16xf32>
        %sub3A_169 = arith.subf %get3A_164, %get3A_168 : vector<16xf32>
        %mul3A_170 = arith.mulf %sub3A_169, %sub3A_169 : vector<16xf32>
        %add3A_171 = arith.addf %add3A_160, %mul3A_170 : vector<16xf32>
        %get3A_172 = arith.index_cast %scan3A_95 : i32 to index
        %get3A_173 = arith.constant 112 : index
        %get3A_174 = tpu.vector_load %arg7[%get3A_172, %get3A_173] {strides = array<i32>} : memref<32x512xf32, #tpu.memory_space<vmem>>, vector<1x16xf32>,
        %get3A_175 = vector.shape_cast %get3A_174 : vector<1x16xf32> to vector<16xf32>
        %get3A_176 = arith.index_cast %scan3A_95 : i32 to index
        %get3A_177 = arith.constant 112 : index
        %get3A_178 = tpu.vector_load %arg9[%get3A_176, %get3A_177] {strides = array<i32>} : memref<32x512xf32, #tpu.memory_space<vmem>>, vector<1x16xf32>,
        %get3A_179 = vector.shape_cast %get3A_178 : vector<1x16xf32> to vector<16xf32>
        %sub3A_180 = arith.subf %get3A_175, %get3A_179 : vector<16xf32>
        %mul3A_181 = arith.mulf %sub3A_180, %sub3A_180 : vector<16xf32>
        %add3A_182 = arith.addf %add3A_171, %mul3A_181 : vector<16xf32>
        %get3A_183 = arith.index_cast %scan3A_95 : i32 to index
        %get3A_184 = arith.constant 128 : index
        %get3A_185 = tpu.vector_load %arg7[%get3A_183, %get3A_184] {strides = array<i32>} : memref<32x512xf32, #tpu.memory_space<vmem>>, vector<1x16xf32>,
        %get3A_186 = vector.shape_cast %get3A_185 : vector<1x16xf32> to vector<16xf32>
        %get3A_187 = arith.index_cast %scan3A_95 : i32 to index
        %get3A_188 = arith.constant 128 : index
        %get3A_189 = tpu.vector_load %arg9[%get3A_187, %get3A_188] {strides = array<i32>} : memref<32x512xf32, #tpu.memory_space<vmem>>, vector<1x16xf32>,
        %get3A_190 = vector.shape_cast %get3A_189 : vector<1x16xf32> to vector<16xf32>
        %sub3A_191 = arith.subf %get3A_186, %get3A_190 : vector<16xf32>
        %mul3A_192 = arith.mulf %sub3A_191, %sub3A_191 : vector<16xf32>
        %add3A_193 = arith.addf %add3A_182, %mul3A_192 : vector<16xf32>
        %get3A_194 = arith.index_cast %scan3A_95 : i32 to index
        %get3A_195 = arith.constant 144 : index
        %get3A_196 = tpu.vector_load %arg7[%get3A_194, %get3A_195] {strides = array<i32>} : memref<32x512xf32, #tpu.memory_space<vmem>>, vector<1x16xf32>,
        %get3A_197 = vector.shape_cast %get3A_196 : vector<1x16xf32> to vector<16xf32>
        %get3A_198 = arith.index_cast %scan3A_95 : i32 to index
        %get3A_199 = arith.constant 144 : index
        %get3A_200 = tpu.vector_load %arg9[%get3A_198, %get3A_199] {strides = array<i32>} : memref<32x512xf32, #tpu.memory_space<vmem>>, vector<1x16xf32>,
        %get3A_201 = vector.shape_cast %get3A_200 : vector<1x16xf32> to vector<16xf32>
        %sub3A_202 = arith.subf %get3A_197, %get3A_201 : vector<16xf32>
        %mul3A_203 = arith.mulf %sub3A_202, %sub3A_202 : vector<16xf32>
        %add3A_204 = arith.addf %add3A_193, %mul3A_203 : vector<16xf32>
        %get3A_205 = arith.index_cast %scan3A_95 : i32 to index
        %get3A_206 = arith.constant 160 : index
        %get3A_207 = tpu.vector_load %arg7[%get3A_205, %get3A_206] {strides = array<i32>} : memref<32x512xf32, #tpu.memory_space<vmem>>, vector<1x16xf32>,
        %get3A_208 = vector.shape_cast %get3A_207 : vector<1x16xf32> to vector<16xf32>
        %get3A_209 = arith.index_cast %scan3A_95 : i32 to index
        %get3A_210 = arith.constant 160 : index
        %get3A_211 = tpu.vector_load %arg9[%get3A_209, %get3A_210] {strides = array<i32>} : memref<32x512xf32, #tpu.memory_space<vmem>>, vector<1x16xf32>,
        %get3A_212 = vector.shape_cast %get3A_211 : vector<1x16xf32> to vector<16xf32>
        %sub3A_213 = arith.subf %get3A_208, %get3A_212 : vector<16xf32>
        %mul3A_214 = arith.mulf %sub3A_213, %sub3A_213 : vector<16xf32>
        %add3A_215 = arith.addf %add3A_204, %mul3A_214 : vector<16xf32>
        %get3A_216 = arith.index_cast %scan3A_95 : i32 to index
        %get3A_217 = arith.constant 176 : index
        %get3A_218 = tpu.vector_load %arg7[%get3A_216, %get3A_217] {strides = array<i32>} : memref<32x512xf32, #tpu.memory_space<vmem>>, vector<1x16xf32>,
        %get3A_219 = vector.shape_cast %get3A_218 : vector<1x16xf32> to vector<16xf32>
        %get3A_220 = arith.index_cast %scan3A_95 : i32 to index
        %get3A_221 = arith.constant 176 : index
        %get3A_222 = tpu.vector_load %arg9[%get3A_220, %get3A_221] {strides = array<i32>} : memref<32x512xf32, #tpu.memory_space<vmem>>, vector<1x16xf32>,
        %get3A_223 = vector.shape_cast %get3A_222 : vector<1x16xf32> to vector<16xf32>
        %sub3A_224 = arith.subf %get3A_219, %get3A_223 : vector<16xf32>
        %mul3A_225 = arith.mulf %sub3A_224, %sub3A_224 : vector<16xf32>
        %add3A_226 = arith.addf %add3A_215, %mul3A_225 : vector<16xf32>
        %get3A_227 = arith.index_cast %scan3A_95 : i32 to index
        %get3A_228 = arith.constant 192 : index
        %get3A_229 = tpu.vector_load %arg7[%get3A_227, %get3A_228] {strides = array<i32>} : memref<32x512xf32, #tpu.memory_space<vmem>>, vector<1x16xf32>,
        %get3A_230 = vector.shape_cast %get3A_229 : vector<1x16xf32> to vector<16xf32>
        %get3A_231 = arith.index_cast %scan3A_95 : i32 to index
        %get3A_232 = arith.constant 192 : index
        %get3A_233 = tpu.vector_load %arg9[%get3A_231, %get3A_232] {strides = array<i32>} : memref<32x512xf32, #tpu.memory_space<vmem>>, vector<1x16xf32>,
        %get3A_234 = vector.shape_cast %get3A_233 : vector<1x16xf32> to vector<16xf32>
        %sub3A_235 = arith.subf %get3A_230, %get3A_234 : vector<16xf32>
        %mul3A_236 = arith.mulf %sub3A_235, %sub3A_235 : vector<16xf32>
        %add3A_237 = arith.addf %add3A_226, %mul3A_236 : vector<16xf32>
        %get3A_238 = arith.index_cast %scan3A_95 : i32 to index
        %get3A_239 = arith.constant 208 : index
        %get3A_240 = tpu.vector_load %arg7[%get3A_238, %get3A_239] {strides = array<i32>} : memref<32x512xf32, #tpu.memory_space<vmem>>, vector<1x16xf32>,
        %get3A_241 = vector.shape_cast %get3A_240 : vector<1x16xf32> to vector<16xf32>
        %get3A_242 = arith.index_cast %scan3A_95 : i32 to index
        %get3A_243 = arith.constant 208 : index
        %get3A_244 = tpu.vector_load %arg9[%get3A_242, %get3A_243] {strides = array<i32>} : memref<32x512xf32, #tpu.memory_space<vmem>>, vector<1x16xf32>,
        %get3A_245 = vector.shape_cast %get3A_244 : vector<1x16xf32> to vector<16xf32>
        %sub3A_246 = arith.subf %get3A_241, %get3A_245 : vector<16xf32>
        %mul3A_247 = arith.mulf %sub3A_246, %sub3A_246 : vector<16xf32>
        %add3A_248 = arith.addf %add3A_237, %mul3A_247 : vector<16xf32>
        %get3A_249 = arith.index_cast %scan3A_95 : i32 to index
        %get3A_250 = arith.constant 224 : index
        %get3A_251 = tpu.vector_load %arg7[%get3A_249, %get3A_250] {strides = array<i32>} : memref<32x512xf32, #tpu.memory_space<vmem>>, vector<1x16xf32>,
        %get3A_252 = vector.shape_cast %get3A_251 : vector<1x16xf32> to vector<16xf32>
        %get3A_253 = arith.index_cast %scan3A_95 : i32 to index
        %get3A_254 = arith.constant 224 : index
        %get3A_255 = tpu.vector_load %arg9[%get3A_253, %get3A_254] {strides = array<i32>} : memref<32x512xf32, #tpu.memory_space<vmem>>, vector<1x16xf32>,
        %get3A_256 = vector.shape_cast %get3A_255 : vector<1x16xf32> to vector<16xf32>
        %sub3A_257 = arith.subf %get3A_252, %get3A_256 : vector<16xf32>
        %mul3A_258 = arith.mulf %sub3A_257, %sub3A_257 : vector<16xf32>
        %add3A_259 = arith.addf %add3A_248, %mul3A_258 : vector<16xf32>
        %get3A_260 = arith.index_cast %scan3A_95 : i32 to index
        %get3A_261 = arith.constant 240 : index
        %get3A_262 = tpu.vector_load %arg7[%get3A_260, %get3A_261] {strides = array<i32>} : memref<32x512xf32, #tpu.memory_space<vmem>>, vector<1x16xf32>,
        %get3A_263 = vector.shape_cast %get3A_262 : vector<1x16xf32> to vector<16xf32>
        %get3A_264 = arith.index_cast %scan3A_95 : i32 to index
        %get3A_265 = arith.constant 240 : index
        %get3A_266 = tpu.vector_load %arg9[%get3A_264, %get3A_265] {strides = array<i32>} : memref<32x512xf32, #tpu.memory_space<vmem>>, vector<1x16xf32>,
        %get3A_267 = vector.shape_cast %get3A_266 : vector<1x16xf32> to vector<16xf32>
        %sub3A_268 = arith.subf %get3A_263, %get3A_267 : vector<16xf32>
        %mul3A_269 = arith.mulf %sub3A_268, %sub3A_268 : vector<16xf32>
        %add3A_270 = arith.addf %add3A_259, %mul3A_269 : vector<16xf32>
        %get3A_271 = arith.index_cast %scan3A_95 : i32 to index
        %get3A_272 = arith.constant 256 : index
        %get3A_273 = tpu.vector_load %arg7[%get3A_271, %get3A_272] {strides = array<i32>} : memref<32x512xf32, #tpu.memory_space<vmem>>, vector<1x16xf32>,
        %get3A_274 = vector.shape_cast %get3A_273 : vector<1x16xf32> to vector<16xf32>
        %get3A_275 = arith.index_cast %scan3A_95 : i32 to index
        %get3A_276 = arith.constant 256 : index
        %get3A_277 = tpu.vector_load %arg9[%get3A_275, %get3A_276] {strides = array<i32>} : memref<32x512xf32, #tpu.memory_space<vmem>>, vector<1x16xf32>,
        %get3A_278 = vector.shape_cast %get3A_277 : vector<1x16xf32> to vector<16xf32>
        %sub3A_279 = arith.subf %get3A_274, %get3A_278 : vector<16xf32>
        %mul3A_280 = arith.mulf %sub3A_279, %sub3A_279 : vector<16xf32>
        %add3A_281 = arith.addf %add3A_270, %mul3A_280 : vector<16xf32>
        %get3A_282 = arith.index_cast %scan3A_95 : i32 to index
        %get3A_283 = arith.constant 272 : index
        %get3A_284 = tpu.vector_load %arg7[%get3A_282, %get3A_283] {strides = array<i32>} : memref<32x512xf32, #tpu.memory_space<vmem>>, vector<1x16xf32>,
        %get3A_285 = vector.shape_cast %get3A_284 : vector<1x16xf32> to vector<16xf32>
        %get3A_286 = arith.index_cast %scan3A_95 : i32 to index
        %get3A_287 = arith.constant 272 : index
        %get3A_288 = tpu.vector_load %arg9[%get3A_286, %get3A_287] {strides = array<i32>} : memref<32x512xf32, #tpu.memory_space<vmem>>, vector<1x16xf32>,
        %get3A_289 = vector.shape_cast %get3A_288 : vector<1x16xf32> to vector<16xf32>
        %sub3A_290 = arith.subf %get3A_285, %get3A_289 : vector<16xf32>
        %mul3A_291 = arith.mulf %sub3A_290, %sub3A_290 : vector<16xf32>
        %add3A_292 = arith.addf %add3A_281, %mul3A_291 : vector<16xf32>
        %get3A_293 = arith.index_cast %scan3A_95 : i32 to index
        %get3A_294 = arith.constant 288 : index
        %get3A_295 = tpu.vector_load %arg7[%get3A_293, %get3A_294] {strides = array<i32>} : memref<32x512xf32, #tpu.memory_space<vmem>>, vector<1x16xf32>,
        %get3A_296 = vector.shape_cast %get3A_295 : vector<1x16xf32> to vector<16xf32>
        %get3A_297 = arith.index_cast %scan3A_95 : i32 to index
        %get3A_298 = arith.constant 288 : index
        %get3A_299 = tpu.vector_load %arg9[%get3A_297, %get3A_298] {strides = array<i32>} : memref<32x512xf32, #tpu.memory_space<vmem>>, vector<1x16xf32>,
        %get3A_300 = vector.shape_cast %get3A_299 : vector<1x16xf32> to vector<16xf32>
        %sub3A_301 = arith.subf %get3A_296, %get3A_300 : vector<16xf32>
        %mul3A_302 = arith.mulf %sub3A_301, %sub3A_301 : vector<16xf32>
        %add3A_303 = arith.addf %add3A_292, %mul3A_302 : vector<16xf32>
        %get3A_304 = arith.index_cast %scan3A_95 : i32 to index
        %get3A_305 = arith.constant 304 : index
        %get3A_306 = tpu.vector_load %arg7[%get3A_304, %get3A_305] {strides = array<i32>} : memref<32x512xf32, #tpu.memory_space<vmem>>, vector<1x16xf32>,
        %get3A_307 = vector.shape_cast %get3A_306 : vector<1x16xf32> to vector<16xf32>
        %get3A_308 = arith.index_cast %scan3A_95 : i32 to index
        %get3A_309 = arith.constant 304 : index
        %get3A_310 = tpu.vector_load %arg9[%get3A_308, %get3A_309] {strides = array<i32>} : memref<32x512xf32, #tpu.memory_space<vmem>>, vector<1x16xf32>,
        %get3A_311 = vector.shape_cast %get3A_310 : vector<1x16xf32> to vector<16xf32>
        %sub3A_312 = arith.subf %get3A_307, %get3A_311 : vector<16xf32>
        %mul3A_313 = arith.mulf %sub3A_312, %sub3A_312 : vector<16xf32>
        %add3A_314 = arith.addf %add3A_303, %mul3A_313 : vector<16xf32>
        %get3A_315 = arith.index_cast %scan3A_95 : i32 to index
        %get3A_316 = arith.constant 320 : index
        %get3A_317 = tpu.vector_load %arg7[%get3A_315, %get3A_316] {strides = array<i32>} : memref<32x512xf32, #tpu.memory_space<vmem>>, vector<1x16xf32>,
        %get3A_318 = vector.shape_cast %get3A_317 : vector<1x16xf32> to vector<16xf32>
        %get3A_319 = arith.index_cast %scan3A_95 : i32 to index
        %get3A_320 = arith.constant 320 : index
        %get3A_321 = tpu.vector_load %arg9[%get3A_319, %get3A_320] {strides = array<i32>} : memref<32x512xf32, #tpu.memory_space<vmem>>, vector<1x16xf32>,
        %get3A_322 = vector.shape_cast %get3A_321 : vector<1x16xf32> to vector<16xf32>
        %sub3A_323 = arith.subf %get3A_318, %get3A_322 : vector<16xf32>
        %mul3A_324 = arith.mulf %sub3A_323, %sub3A_323 : vector<16xf32>
        %add3A_325 = arith.addf %add3A_314, %mul3A_324 : vector<16xf32>
        %get3A_326 = arith.index_cast %scan3A_95 : i32 to index
        %get3A_327 = arith.constant 336 : index
        %get3A_328 = tpu.vector_load %arg7[%get3A_326, %get3A_327] {strides = array<i32>} : memref<32x512xf32, #tpu.memory_space<vmem>>, vector<1x16xf32>,
        %get3A_329 = vector.shape_cast %get3A_328 : vector<1x16xf32> to vector<16xf32>
        %get3A_330 = arith.index_cast %scan3A_95 : i32 to index
        %get3A_331 = arith.constant 336 : index
        %get3A_332 = tpu.vector_load %arg9[%get3A_330, %get3A_331] {strides = array<i32>} : memref<32x512xf32, #tpu.memory_space<vmem>>, vector<1x16xf32>,
        %get3A_333 = vector.shape_cast %get3A_332 : vector<1x16xf32> to vector<16xf32>
        %sub3A_334 = arith.subf %get3A_329, %get3A_333 : vector<16xf32>
        %mul3A_335 = arith.mulf %sub3A_334, %sub3A_334 : vector<16xf32>
        %add3A_336 = arith.addf %add3A_325, %mul3A_335 : vector<16xf32>
        %get3A_337 = arith.index_cast %scan3A_95 : i32 to index
        %get3A_338 = arith.constant 352 : index
        %get3A_339 = tpu.vector_load %arg7[%get3A_337, %get3A_338] {strides = array<i32>} : memref<32x512xf32, #tpu.memory_space<vmem>>, vector<1x16xf32>,
        %get3A_340 = vector.shape_cast %get3A_339 : vector<1x16xf32> to vector<16xf32>
        %get3A_341 = arith.index_cast %scan3A_95 : i32 to index
        %get3A_342 = arith.constant 352 : index
        %get3A_343 = tpu.vector_load %arg9[%get3A_341, %get3A_342] {strides = array<i32>} : memref<32x512xf32, #tpu.memory_space<vmem>>, vector<1x16xf32>,
        %get3A_344 = vector.shape_cast %get3A_343 : vector<1x16xf32> to vector<16xf32>
        %sub3A_345 = arith.subf %get3A_340, %get3A_344 : vector<16xf32>
        %mul3A_346 = arith.mulf %sub3A_345, %sub3A_345 : vector<16xf32>
        %add3A_347 = arith.addf %add3A_336, %mul3A_346 : vector<16xf32>
        %get3A_348 = arith.index_cast %scan3A_95 : i32 to index
        %get3A_349 = arith.constant 368 : index
        %get3A_350 = tpu.vector_load %arg7[%get3A_348, %get3A_349] {strides = array<i32>} : memref<32x512xf32, #tpu.memory_space<vmem>>, vector<1x16xf32>,
        %get3A_351 = vector.shape_cast %get3A_350 : vector<1x16xf32> to vector<16xf32>
        %get3A_352 = arith.index_cast %scan3A_95 : i32 to index
        %get3A_353 = arith.constant 368 : index
        %get3A_354 = tpu.vector_load %arg9[%get3A_352, %get3A_353] {strides = array<i32>} : memref<32x512xf32, #tpu.memory_space<vmem>>, vector<1x16xf32>,
        %get3A_355 = vector.shape_cast %get3A_354 : vector<1x16xf32> to vector<16xf32>
        %sub3A_356 = arith.subf %get3A_351, %get3A_355 : vector<16xf32>
        %mul3A_357 = arith.mulf %sub3A_356, %sub3A_356 : vector<16xf32>
        %add3A_358 = arith.addf %add3A_347, %mul3A_357 : vector<16xf32>
        %get3A_359 = arith.index_cast %scan3A_95 : i32 to index
        %get3A_360 = arith.constant 384 : index
        %get3A_361 = tpu.vector_load %arg7[%get3A_359, %get3A_360] {strides = array<i32>} : memref<32x512xf32, #tpu.memory_space<vmem>>, vector<1x16xf32>,
        %get3A_362 = vector.shape_cast %get3A_361 : vector<1x16xf32> to vector<16xf32>
        %get3A_363 = arith.index_cast %scan3A_95 : i32 to index
        %get3A_364 = arith.constant 384 : index
        %get3A_365 = tpu.vector_load %arg9[%get3A_363, %get3A_364] {strides = array<i32>} : memref<32x512xf32, #tpu.memory_space<vmem>>, vector<1x16xf32>,
        %get3A_366 = vector.shape_cast %get3A_365 : vector<1x16xf32> to vector<16xf32>
        %sub3A_367 = arith.subf %get3A_362, %get3A_366 : vector<16xf32>
        %mul3A_368 = arith.mulf %sub3A_367, %sub3A_367 : vector<16xf32>
        %add3A_369 = arith.addf %add3A_358, %mul3A_368 : vector<16xf32>
        %get3A_370 = arith.index_cast %scan3A_95 : i32 to index
        %get3A_371 = arith.constant 400 : index
        %get3A_372 = tpu.vector_load %arg7[%get3A_370, %get3A_371] {strides = array<i32>} : memref<32x512xf32, #tpu.memory_space<vmem>>, vector<1x16xf32>,
        %get3A_373 = vector.shape_cast %get3A_372 : vector<1x16xf32> to vector<16xf32>
        %get3A_374 = arith.index_cast %scan3A_95 : i32 to index
        %get3A_375 = arith.constant 400 : index
        %get3A_376 = tpu.vector_load %arg9[%get3A_374, %get3A_375] {strides = array<i32>} : memref<32x512xf32, #tpu.memory_space<vmem>>, vector<1x16xf32>,
        %get3A_377 = vector.shape_cast %get3A_376 : vector<1x16xf32> to vector<16xf32>
        %sub3A_378 = arith.subf %get3A_373, %get3A_377 : vector<16xf32>
        %mul3A_379 = arith.mulf %sub3A_378, %sub3A_378 : vector<16xf32>
        %add3A_380 = arith.addf %add3A_369, %mul3A_379 : vector<16xf32>
        %get3A_381 = arith.index_cast %scan3A_95 : i32 to index
        %get3A_382 = arith.constant 416 : index
        %get3A_383 = tpu.vector_load %arg7[%get3A_381, %get3A_382] {strides = array<i32>} : memref<32x512xf32, #tpu.memory_space<vmem>>, vector<1x16xf32>,
        %get3A_384 = vector.shape_cast %get3A_383 : vector<1x16xf32> to vector<16xf32>
        %get3A_385 = arith.index_cast %scan3A_95 : i32 to index
        %get3A_386 = arith.constant 416 : index
        %get3A_387 = tpu.vector_load %arg9[%get3A_385, %get3A_386] {strides = array<i32>} : memref<32x512xf32, #tpu.memory_space<vmem>>, vector<1x16xf32>,
        %get3A_388 = vector.shape_cast %get3A_387 : vector<1x16xf32> to vector<16xf32>
        %sub3A_389 = arith.subf %get3A_384, %get3A_388 : vector<16xf32>
        %mul3A_390 = arith.mulf %sub3A_389, %sub3A_389 : vector<16xf32>
        %add3A_391 = arith.addf %add3A_380, %mul3A_390 : vector<16xf32>
        %get3A_392 = arith.index_cast %scan3A_95 : i32 to index
        %get3A_393 = arith.constant 432 : index
        %get3A_394 = tpu.vector_load %arg7[%get3A_392, %get3A_393] {strides = array<i32>} : memref<32x512xf32, #tpu.memory_space<vmem>>, vector<1x16xf32>,
        %get3A_395 = vector.shape_cast %get3A_394 : vector<1x16xf32> to vector<16xf32>
        %get3A_396 = arith.index_cast %scan3A_95 : i32 to index
        %get3A_397 = arith.constant 432 : index
        %get3A_398 = tpu.vector_load %arg9[%get3A_396, %get3A_397] {strides = array<i32>} : memref<32x512xf32, #tpu.memory_space<vmem>>, vector<1x16xf32>,
        %get3A_399 = vector.shape_cast %get3A_398 : vector<1x16xf32> to vector<16xf32>
        %sub3A_400 = arith.subf %get3A_395, %get3A_399 : vector<16xf32>
        %mul3A_401 = arith.mulf %sub3A_400, %sub3A_400 : vector<16xf32>
        %add3A_402 = arith.addf %add3A_391, %mul3A_401 : vector<16xf32>
        %get3A_403 = arith.index_cast %scan3A_95 : i32 to index
        %get3A_404 = arith.constant 448 : index
        %get3A_405 = tpu.vector_load %arg7[%get3A_403, %get3A_404] {strides = array<i32>} : memref<32x512xf32, #tpu.memory_space<vmem>>, vector<1x16xf32>,
        %get3A_406 = vector.shape_cast %get3A_405 : vector<1x16xf32> to vector<16xf32>
        %get3A_407 = arith.index_cast %scan3A_95 : i32 to index
        %get3A_408 = arith.constant 448 : index
        %get3A_409 = tpu.vector_load %arg9[%get3A_407, %get3A_408] {strides = array<i32>} : memref<32x512xf32, #tpu.memory_space<vmem>>, vector<1x16xf32>,
        %get3A_410 = vector.shape_cast %get3A_409 : vector<1x16xf32> to vector<16xf32>
        %sub3A_411 = arith.subf %get3A_406, %get3A_410 : vector<16xf32>
        %mul3A_412 = arith.mulf %sub3A_411, %sub3A_411 : vector<16xf32>
        %add3A_413 = arith.addf %add3A_402, %mul3A_412 : vector<16xf32>
        %get3A_414 = arith.index_cast %scan3A_95 : i32 to index
        %get3A_415 = arith.constant 464 : index
        %get3A_416 = tpu.vector_load %arg7[%get3A_414, %get3A_415] {strides = array<i32>} : memref<32x512xf32, #tpu.memory_space<vmem>>, vector<1x16xf32>,
        %get3A_417 = vector.shape_cast %get3A_416 : vector<1x16xf32> to vector<16xf32>
        %get3A_418 = arith.index_cast %scan3A_95 : i32 to index
        %get3A_419 = arith.constant 464 : index
        %get3A_420 = tpu.vector_load %arg9[%get3A_418, %get3A_419] {strides = array<i32>} : memref<32x512xf32, #tpu.memory_space<vmem>>, vector<1x16xf32>,
        %get3A_421 = vector.shape_cast %get3A_420 : vector<1x16xf32> to vector<16xf32>
        %sub3A_422 = arith.subf %get3A_417, %get3A_421 : vector<16xf32>
        %mul3A_423 = arith.mulf %sub3A_422, %sub3A_422 : vector<16xf32>
        %add3A_424 = arith.addf %add3A_413, %mul3A_423 : vector<16xf32>
        %get3A_425 = arith.index_cast %scan3A_95 : i32 to index
        %get3A_426 = arith.constant 480 : index
        %get3A_427 = tpu.vector_load %arg7[%get3A_425, %get3A_426] {strides = array<i32>} : memref<32x512xf32, #tpu.memory_space<vmem>>, vector<1x16xf32>,
        %get3A_428 = vector.shape_cast %get3A_427 : vector<1x16xf32> to vector<16xf32>
        %get3A_429 = arith.index_cast %scan3A_95 : i32 to index
        %get3A_430 = arith.constant 480 : index
        %get3A_431 = tpu.vector_load %arg9[%get3A_429, %get3A_430] {strides = array<i32>} : memref<32x512xf32, #tpu.memory_space<vmem>>, vector<1x16xf32>,
        %get3A_432 = vector.shape_cast %get3A_431 : vector<1x16xf32> to vector<16xf32>
        %sub3A_433 = arith.subf %get3A_428, %get3A_432 : vector<16xf32>
        %mul3A_434 = arith.mulf %sub3A_433, %sub3A_433 : vector<16xf32>
        %add3A_435 = arith.addf %add3A_424, %mul3A_434 : vector<16xf32>
        %get3A_436 = arith.index_cast %scan3A_95 : i32 to index
        %get3A_437 = arith.constant 496 : index
        %get3A_438 = tpu.vector_load %arg7[%get3A_436, %get3A_437] {strides = array<i32>} : memref<32x512xf32, #tpu.memory_space<vmem>>, vector<1x16xf32>,
        %get3A_439 = vector.shape_cast %get3A_438 : vector<1x16xf32> to vector<16xf32>
        %get3A_440 = arith.index_cast %scan3A_95 : i32 to index
        %get3A_441 = arith.constant 496 : index
        %get3A_442 = tpu.vector_load %arg9[%get3A_440, %get3A_441] {strides = array<i32>} : memref<32x512xf32, #tpu.memory_space<vmem>>, vector<1x16xf32>,
        %get3A_443 = vector.shape_cast %get3A_442 : vector<1x16xf32> to vector<16xf32>
        %sub3A_444 = arith.subf %get3A_439, %get3A_443 : vector<16xf32>
        %mul3A_445 = arith.mulf %sub3A_444, %sub3A_444 : vector<16xf32>
        %add3A_446 = arith.addf %add3A_435, %mul3A_445 : vector<16xf32>
        scf.yield %add3A_446 : vector<16xf32>
      }
      %scan3A_60 = arith.constant 32 : i32
      %add3A_61 = arith.constant 2 : i32
      %add3A_62 = arith.addi %add3A_41, %add3A_61 : i32
      %lt3A = arith.constant 16 : i32
      %lt3A_63 = arith.cmpi slt, %add3A_62, %lt3A : i32
      %convert_element_type3A = arith.extui %lt3A_63 : i1 to i32
      %cond3A = arith.constant 0 : i32
      %cond3A_64 = arith.cmpi ne, %convert_element_type3A, %cond3A : i32
      scf.if %cond3A_64 {
        %add3A_95 = arith.constant 2 : i32
        %add3A_96 = arith.addi %add3A_41, %add3A_95 : i32
        %mul3A_97 = arith.constant 32 : i32
        %mul3A_98 = arith.muli %add3A_96, %mul3A_97 : i32
        %add3A_99 = arith.addi %mul3A_2, %mul3A_98 : i32
        %dma_start3A_100 = arith.constant 0 : i32
        %dma_start3A_101 = tpu.memref_slice %arg2[%add3A_99, %dma_start3A_100] : memref<16384x512xf32, #tpu.memory_space<hbm>> -> memref<32x512xf32, #tpu.memory_space<hbm>>
        %dma_start3A_102 = arith.constant 0 : i32
        %dma_start3A_103 = tpu.memref_slice %arg2[%add3A_99, %dma_start3A_102] : memref<16384x512xf32, #tpu.memory_space<hbm>> -> memref<32x512xf32, #tpu.memory_space<hbm>>
        tpu.enqueue_dma source(%dma_start3A_103 : memref<32x512xf32, #tpu.memory_space<hbm>>) target(%arg7 : memref<32x512xf32, #tpu.memory_space<vmem>>) target_semaphore(%arg12 : memref<!tpu.dma_semaphore, #tpu.memory_space<semaphore_mem>>)
        %add3A_104 = arith.constant 2 : i32
        %add3A_105 = arith.addi %add3A_41, %add3A_104 : i32
        %mul3A_106 = arith.constant 32 : i32
        %mul3A_107 = arith.muli %add3A_105, %mul3A_106 : i32
        %dma_start3A_108 = tpu.memref_slice %arg6[%mul3A_107] : memref<512xi32, #tpu.memory_space<vmem>> -> memref<32xi32, #tpu.memory_space<vmem>>
        %dma_start3A_109 = arith.constant 0 : i32
        %dma_start3A_110 = arith.constant 0 : i32
        %dma_start3A_111 = tpu.memref_slice %arg4[%dma_start3A_109, %dma_start3A_110] : memref<10000x512xf32, #tpu.memory_space<hbm>> -> memref<10000x512xf32, #tpu.memory_space<hbm>>
        tpu.enqueue_indirect_dma source(%dma_start3A_111 : memref<10000x512xf32, #tpu.memory_space<hbm>>) target(%arg9 : memref<32x512xf32, #tpu.memory_space<vmem>>) offsets(%dma_start3A_108 : memref<32xi32, #tpu.memory_space<vmem>>) semaphore(%arg14 : memref<!tpu.dma_semaphore, #tpu.memory_space<semaphore_mem>>)
      } else {
      }
      %mul3A_65 = arith.constant 2 : i32
      %mul3A_66 = arith.muli %scan3A_36, %mul3A_65 : i32
      %add3A_67 = arith.constant 1 : i32
      %add3A_68 = arith.addi %mul3A_66, %add3A_67 : i32
      %mul3A_69 = arith.constant 32 : i32
      %mul3A_70 = arith.muli %add3A_68, %mul3A_69 : i32
      %add3A_71 = arith.addi %mul3A_2, %mul3A_70 : i32
      %dma_wait3A_72 = arith.constant 0 : i32
      %dma_wait3A_73 = tpu.memref_slice %arg2[%add3A_71, %dma_wait3A_72] : memref<16384x512xf32, #tpu.memory_space<hbm>> -> memref<32x512xf32, #tpu.memory_space<hbm>>
      %dma_wait3A_74 = arith.constant 0 : i32
      %dma_wait3A_75 = tpu.memref_slice %arg2[%add3A_71, %dma_wait3A_74] : memref<16384x512xf32, #tpu.memory_space<hbm>> -> memref<32x512xf32, #tpu.memory_space<hbm>>
      tpu.wait_dma2 semaphore(%arg13 : memref<!tpu.dma_semaphore, #tpu.memory_space<semaphore_mem>>) src(%dma_wait3A_75 : memref<32x512xf32, #tpu.memory_space<hbm>>) dst(%arg8 : memref<32x512xf32, #tpu.memory_space<vmem>>)
      %mul3A_76 = arith.constant 32 : i32
      %mul3A_77 = arith.muli %add3A_68, %mul3A_76 : i32
      %dma_wait3A_78 = tpu.memref_slice %arg6[%mul3A_77] : memref<512xi32, #tpu.memory_space<vmem>> -> memref<32xi32, #tpu.memory_space<vmem>>
      %dma_wait3A_79 = arith.constant 0 : i32
      %dma_wait3A_80 = arith.constant 0 : i32
      %dma_wait3A_81 = tpu.memref_slice %arg4[%dma_wait3A_79, %dma_wait3A_80] : memref<10000x512xf32, #tpu.memory_space<hbm>> -> memref<10000x512xf32, #tpu.memory_space<hbm>>
      tpu.wait_indirect_dma semaphore(%arg15 : memref<!tpu.dma_semaphore, #tpu.memory_space<semaphore_mem>>) src(%dma_wait3A_81 : memref<10000x512xf32, #tpu.memory_space<hbm>>) dst(%arg10 : memref<32x512xf32, #tpu.memory_space<vmem>>)
      %scan3A_82 = arith.constant 0 : i32
      %scan3A_83 = arith.constant 32 : i32
      %scan3A_84 = arith.addi %scan3A_82, %scan3A_83 : i32
      %scan3A_85 = arith.constant 1 : i32
      %scan3A_86 = scf.for %scan3A_95 = %scan3A_82 to %scan3A_84 step %scan3A_85 iter_args(%scan3A_96 = %scan3A_59) -> (vector<16xf32>)  : i32 {
        %get3A = arith.index_cast %scan3A_95 : i32 to index
        %get3A_97 = arith.constant 0 : index
        %get3A_98 = tpu.vector_load %arg8[%get3A, %get3A_97] {strides = array<i32>} : memref<32x512xf32, #tpu.memory_space<vmem>>, vector<1x16xf32>,
        %get3A_99 = vector.shape_cast %get3A_98 : vector<1x16xf32> to vector<16xf32>
        %get3A_100 = arith.index_cast %scan3A_95 : i32 to index
        %get3A_101 = arith.constant 0 : index
        %get3A_102 = tpu.vector_load %arg10[%get3A_100, %get3A_101] {strides = array<i32>} : memref<32x512xf32, #tpu.memory_space<vmem>>, vector<1x16xf32>,
        %get3A_103 = vector.shape_cast %get3A_102 : vector<1x16xf32> to vector<16xf32>
        %sub3A = arith.subf %get3A_99, %get3A_103 : vector<16xf32>
        %mul3A_104 = arith.mulf %sub3A, %sub3A : vector<16xf32>
        %add3A_105 = arith.addf %scan3A_96, %mul3A_104 : vector<16xf32>
        %get3A_106 = arith.index_cast %scan3A_95 : i32 to index
        %get3A_107 = arith.constant 16 : index
        %get3A_108 = tpu.vector_load %arg8[%get3A_106, %get3A_107] {strides = array<i32>} : memref<32x512xf32, #tpu.memory_space<vmem>>, vector<1x16xf32>,
        %get3A_109 = vector.shape_cast %get3A_108 : vector<1x16xf32> to vector<16xf32>
        %get3A_110 = arith.index_cast %scan3A_95 : i32 to index
        %get3A_111 = arith.constant 16 : index
        %get3A_112 = tpu.vector_load %arg10[%get3A_110, %get3A_111] {strides = array<i32>} : memref<32x512xf32, #tpu.memory_space<vmem>>, vector<1x16xf32>,
        %get3A_113 = vector.shape_cast %get3A_112 : vector<1x16xf32> to vector<16xf32>
        %sub3A_114 = arith.subf %get3A_109, %get3A_113 : vector<16xf32>
        %mul3A_115 = arith.mulf %sub3A_114, %sub3A_114 : vector<16xf32>
        %add3A_116 = arith.addf %add3A_105, %mul3A_115 : vector<16xf32>
        %get3A_117 = arith.index_cast %scan3A_95 : i32 to index
        %get3A_118 = arith.constant 32 : index
        %get3A_119 = tpu.vector_load %arg8[%get3A_117, %get3A_118] {strides = array<i32>} : memref<32x512xf32, #tpu.memory_space<vmem>>, vector<1x16xf32>,
        %get3A_120 = vector.shape_cast %get3A_119 : vector<1x16xf32> to vector<16xf32>
        %get3A_121 = arith.index_cast %scan3A_95 : i32 to index
        %get3A_122 = arith.constant 32 : index
        %get3A_123 = tpu.vector_load %arg10[%get3A_121, %get3A_122] {strides = array<i32>} : memref<32x512xf32, #tpu.memory_space<vmem>>, vector<1x16xf32>,
        %get3A_124 = vector.shape_cast %get3A_123 : vector<1x16xf32> to vector<16xf32>
        %sub3A_125 = arith.subf %get3A_120, %get3A_124 : vector<16xf32>
        %mul3A_126 = arith.mulf %sub3A_125, %sub3A_125 : vector<16xf32>
        %add3A_127 = arith.addf %add3A_116, %mul3A_126 : vector<16xf32>
        %get3A_128 = arith.index_cast %scan3A_95 : i32 to index
        %get3A_129 = arith.constant 48 : index
        %get3A_130 = tpu.vector_load %arg8[%get3A_128, %get3A_129] {strides = array<i32>} : memref<32x512xf32, #tpu.memory_space<vmem>>, vector<1x16xf32>,
        %get3A_131 = vector.shape_cast %get3A_130 : vector<1x16xf32> to vector<16xf32>
        %get3A_132 = arith.index_cast %scan3A_95 : i32 to index
        %get3A_133 = arith.constant 48 : index
        %get3A_134 = tpu.vector_load %arg10[%get3A_132, %get3A_133] {strides = array<i32>} : memref<32x512xf32, #tpu.memory_space<vmem>>, vector<1x16xf32>,
        %get3A_135 = vector.shape_cast %get3A_134 : vector<1x16xf32> to vector<16xf32>
        %sub3A_136 = arith.subf %get3A_131, %get3A_135 : vector<16xf32>
        %mul3A_137 = arith.mulf %sub3A_136, %sub3A_136 : vector<16xf32>
        %add3A_138 = arith.addf %add3A_127, %mul3A_137 : vector<16xf32>
        %get3A_139 = arith.index_cast %scan3A_95 : i32 to index
        %get3A_140 = arith.constant 64 : index
        %get3A_141 = tpu.vector_load %arg8[%get3A_139, %get3A_140] {strides = array<i32>} : memref<32x512xf32, #tpu.memory_space<vmem>>, vector<1x16xf32>,
        %get3A_142 = vector.shape_cast %get3A_141 : vector<1x16xf32> to vector<16xf32>
        %get3A_143 = arith.index_cast %scan3A_95 : i32 to index
        %get3A_144 = arith.constant 64 : index
        %get3A_145 = tpu.vector_load %arg10[%get3A_143, %get3A_144] {strides = array<i32>} : memref<32x512xf32, #tpu.memory_space<vmem>>, vector<1x16xf32>,
        %get3A_146 = vector.shape_cast %get3A_145 : vector<1x16xf32> to vector<16xf32>
        %sub3A_147 = arith.subf %get3A_142, %get3A_146 : vector<16xf32>
        %mul3A_148 = arith.mulf %sub3A_147, %sub3A_147 : vector<16xf32>
        %add3A_149 = arith.addf %add3A_138, %mul3A_148 : vector<16xf32>
        %get3A_150 = arith.index_cast %scan3A_95 : i32 to index
        %get3A_151 = arith.constant 80 : index
        %get3A_152 = tpu.vector_load %arg8[%get3A_150, %get3A_151] {strides = array<i32>} : memref<32x512xf32, #tpu.memory_space<vmem>>, vector<1x16xf32>,
        %get3A_153 = vector.shape_cast %get3A_152 : vector<1x16xf32> to vector<16xf32>
        %get3A_154 = arith.index_cast %scan3A_95 : i32 to index
        %get3A_155 = arith.constant 80 : index
        %get3A_156 = tpu.vector_load %arg10[%get3A_154, %get3A_155] {strides = array<i32>} : memref<32x512xf32, #tpu.memory_space<vmem>>, vector<1x16xf32>,
        %get3A_157 = vector.shape_cast %get3A_156 : vector<1x16xf32> to vector<16xf32>
        %sub3A_158 = arith.subf %get3A_153, %get3A_157 : vector<16xf32>
        %mul3A_159 = arith.mulf %sub3A_158, %sub3A_158 : vector<16xf32>
        %add3A_160 = arith.addf %add3A_149, %mul3A_159 : vector<16xf32>
        %get3A_161 = arith.index_cast %scan3A_95 : i32 to index
        %get3A_162 = arith.constant 96 : index
        %get3A_163 = tpu.vector_load %arg8[%get3A_161, %get3A_162] {strides = array<i32>} : memref<32x512xf32, #tpu.memory_space<vmem>>, vector<1x16xf32>,
        %get3A_164 = vector.shape_cast %get3A_163 : vector<1x16xf32> to vector<16xf32>
        %get3A_165 = arith.index_cast %scan3A_95 : i32 to index
        %get3A_166 = arith.constant 96 : index
        %get3A_167 = tpu.vector_load %arg10[%get3A_165, %get3A_166] {strides = array<i32>} : memref<32x512xf32, #tpu.memory_space<vmem>>, vector<1x16xf32>,
        %get3A_168 = vector.shape_cast %get3A_167 : vector<1x16xf32> to vector<16xf32>
        %sub3A_169 = arith.subf %get3A_164, %get3A_168 : vector<16xf32>
        %mul3A_170 = arith.mulf %sub3A_169, %sub3A_169 : vector<16xf32>
        %add3A_171 = arith.addf %add3A_160, %mul3A_170 : vector<16xf32>
        %get3A_172 = arith.index_cast %scan3A_95 : i32 to index
        %get3A_173 = arith.constant 112 : index
        %get3A_174 = tpu.vector_load %arg8[%get3A_172, %get3A_173] {strides = array<i32>} : memref<32x512xf32, #tpu.memory_space<vmem>>, vector<1x16xf32>,
        %get3A_175 = vector.shape_cast %get3A_174 : vector<1x16xf32> to vector<16xf32>
        %get3A_176 = arith.index_cast %scan3A_95 : i32 to index
        %get3A_177 = arith.constant 112 : index
        %get3A_178 = tpu.vector_load %arg10[%get3A_176, %get3A_177] {strides = array<i32>} : memref<32x512xf32, #tpu.memory_space<vmem>>, vector<1x16xf32>,
        %get3A_179 = vector.shape_cast %get3A_178 : vector<1x16xf32> to vector<16xf32>
        %sub3A_180 = arith.subf %get3A_175, %get3A_179 : vector<16xf32>
        %mul3A_181 = arith.mulf %sub3A_180, %sub3A_180 : vector<16xf32>
        %add3A_182 = arith.addf %add3A_171, %mul3A_181 : vector<16xf32>
        %get3A_183 = arith.index_cast %scan3A_95 : i32 to index
        %get3A_184 = arith.constant 128 : index
        %get3A_185 = tpu.vector_load %arg8[%get3A_183, %get3A_184] {strides = array<i32>} : memref<32x512xf32, #tpu.memory_space<vmem>>, vector<1x16xf32>,
        %get3A_186 = vector.shape_cast %get3A_185 : vector<1x16xf32> to vector<16xf32>
        %get3A_187 = arith.index_cast %scan3A_95 : i32 to index
        %get3A_188 = arith.constant 128 : index
        %get3A_189 = tpu.vector_load %arg10[%get3A_187, %get3A_188] {strides = array<i32>} : memref<32x512xf32, #tpu.memory_space<vmem>>, vector<1x16xf32>,
        %get3A_190 = vector.shape_cast %get3A_189 : vector<1x16xf32> to vector<16xf32>
        %sub3A_191 = arith.subf %get3A_186, %get3A_190 : vector<16xf32>
        %mul3A_192 = arith.mulf %sub3A_191, %sub3A_191 : vector<16xf32>
        %add3A_193 = arith.addf %add3A_182, %mul3A_192 : vector<16xf32>
        %get3A_194 = arith.index_cast %scan3A_95 : i32 to index
        %get3A_195 = arith.constant 144 : index
        %get3A_196 = tpu.vector_load %arg8[%get3A_194, %get3A_195] {strides = array<i32>} : memref<32x512xf32, #tpu.memory_space<vmem>>, vector<1x16xf32>,
        %get3A_197 = vector.shape_cast %get3A_196 : vector<1x16xf32> to vector<16xf32>
        %get3A_198 = arith.index_cast %scan3A_95 : i32 to index
        %get3A_199 = arith.constant 144 : index
        %get3A_200 = tpu.vector_load %arg10[%get3A_198, %get3A_199] {strides = array<i32>} : memref<32x512xf32, #tpu.memory_space<vmem>>, vector<1x16xf32>,
        %get3A_201 = vector.shape_cast %get3A_200 : vector<1x16xf32> to vector<16xf32>
        %sub3A_202 = arith.subf %get3A_197, %get3A_201 : vector<16xf32>
        %mul3A_203 = arith.mulf %sub3A_202, %sub3A_202 : vector<16xf32>
        %add3A_204 = arith.addf %add3A_193, %mul3A_203 : vector<16xf32>
        %get3A_205 = arith.index_cast %scan3A_95 : i32 to index
        %get3A_206 = arith.constant 160 : index
        %get3A_207 = tpu.vector_load %arg8[%get3A_205, %get3A_206] {strides = array<i32>} : memref<32x512xf32, #tpu.memory_space<vmem>>, vector<1x16xf32>,
        %get3A_208 = vector.shape_cast %get3A_207 : vector<1x16xf32> to vector<16xf32>
        %get3A_209 = arith.index_cast %scan3A_95 : i32 to index
        %get3A_210 = arith.constant 160 : index
        %get3A_211 = tpu.vector_load %arg10[%get3A_209, %get3A_210] {strides = array<i32>} : memref<32x512xf32, #tpu.memory_space<vmem>>, vector<1x16xf32>,
        %get3A_212 = vector.shape_cast %get3A_211 : vector<1x16xf32> to vector<16xf32>
        %sub3A_213 = arith.subf %get3A_208, %get3A_212 : vector<16xf32>
        %mul3A_214 = arith.mulf %sub3A_213, %sub3A_213 : vector<16xf32>
        %add3A_215 = arith.addf %add3A_204, %mul3A_214 : vector<16xf32>
        %get3A_216 = arith.index_cast %scan3A_95 : i32 to index
        %get3A_217 = arith.constant 176 : index
        %get3A_218 = tpu.vector_load %arg8[%get3A_216, %get3A_217] {strides = array<i32>} : memref<32x512xf32, #tpu.memory_space<vmem>>, vector<1x16xf32>,
        %get3A_219 = vector.shape_cast %get3A_218 : vector<1x16xf32> to vector<16xf32>
        %get3A_220 = arith.index_cast %scan3A_95 : i32 to index
        %get3A_221 = arith.constant 176 : index
        %get3A_222 = tpu.vector_load %arg10[%get3A_220, %get3A_221] {strides = array<i32>} : memref<32x512xf32, #tpu.memory_space<vmem>>, vector<1x16xf32>,
        %get3A_223 = vector.shape_cast %get3A_222 : vector<1x16xf32> to vector<16xf32>
        %sub3A_224 = arith.subf %get3A_219, %get3A_223 : vector<16xf32>
        %mul3A_225 = arith.mulf %sub3A_224, %sub3A_224 : vector<16xf32>
        %add3A_226 = arith.addf %add3A_215, %mul3A_225 : vector<16xf32>
        %get3A_227 = arith.index_cast %scan3A_95 : i32 to index
        %get3A_228 = arith.constant 192 : index
        %get3A_229 = tpu.vector_load %arg8[%get3A_227, %get3A_228] {strides = array<i32>} : memref<32x512xf32, #tpu.memory_space<vmem>>, vector<1x16xf32>,
        %get3A_230 = vector.shape_cast %get3A_229 : vector<1x16xf32> to vector<16xf32>
        %get3A_231 = arith.index_cast %scan3A_95 : i32 to index
        %get3A_232 = arith.constant 192 : index
        %get3A_233 = tpu.vector_load %arg10[%get3A_231, %get3A_232] {strides = array<i32>} : memref<32x512xf32, #tpu.memory_space<vmem>>, vector<1x16xf32>,
        %get3A_234 = vector.shape_cast %get3A_233 : vector<1x16xf32> to vector<16xf32>
        %sub3A_235 = arith.subf %get3A_230, %get3A_234 : vector<16xf32>
        %mul3A_236 = arith.mulf %sub3A_235, %sub3A_235 : vector<16xf32>
        %add3A_237 = arith.addf %add3A_226, %mul3A_236 : vector<16xf32>
        %get3A_238 = arith.index_cast %scan3A_95 : i32 to index
        %get3A_239 = arith.constant 208 : index
        %get3A_240 = tpu.vector_load %arg8[%get3A_238, %get3A_239] {strides = array<i32>} : memref<32x512xf32, #tpu.memory_space<vmem>>, vector<1x16xf32>,
        %get3A_241 = vector.shape_cast %get3A_240 : vector<1x16xf32> to vector<16xf32>
        %get3A_242 = arith.index_cast %scan3A_95 : i32 to index
        %get3A_243 = arith.constant 208 : index
        %get3A_244 = tpu.vector_load %arg10[%get3A_242, %get3A_243] {strides = array<i32>} : memref<32x512xf32, #tpu.memory_space<vmem>>, vector<1x16xf32>,
        %get3A_245 = vector.shape_cast %get3A_244 : vector<1x16xf32> to vector<16xf32>
        %sub3A_246 = arith.subf %get3A_241, %get3A_245 : vector<16xf32>
        %mul3A_247 = arith.mulf %sub3A_246, %sub3A_246 : vector<16xf32>
        %add3A_248 = arith.addf %add3A_237, %mul3A_247 : vector<16xf32>
        %get3A_249 = arith.index_cast %scan3A_95 : i32 to index
        %get3A_250 = arith.constant 224 : index
        %get3A_251 = tpu.vector_load %arg8[%get3A_249, %get3A_250] {strides = array<i32>} : memref<32x512xf32, #tpu.memory_space<vmem>>, vector<1x16xf32>,
        %get3A_252 = vector.shape_cast %get3A_251 : vector<1x16xf32> to vector<16xf32>
        %get3A_253 = arith.index_cast %scan3A_95 : i32 to index
        %get3A_254 = arith.constant 224 : index
        %get3A_255 = tpu.vector_load %arg10[%get3A_253, %get3A_254] {strides = array<i32>} : memref<32x512xf32, #tpu.memory_space<vmem>>, vector<1x16xf32>,
        %get3A_256 = vector.shape_cast %get3A_255 : vector<1x16xf32> to vector<16xf32>
        %sub3A_257 = arith.subf %get3A_252, %get3A_256 : vector<16xf32>
        %mul3A_258 = arith.mulf %sub3A_257, %sub3A_257 : vector<16xf32>
        %add3A_259 = arith.addf %add3A_248, %mul3A_258 : vector<16xf32>
        %get3A_260 = arith.index_cast %scan3A_95 : i32 to index
        %get3A_261 = arith.constant 240 : index
        %get3A_262 = tpu.vector_load %arg8[%get3A_260, %get3A_261] {strides = array<i32>} : memref<32x512xf32, #tpu.memory_space<vmem>>, vector<1x16xf32>,
        %get3A_263 = vector.shape_cast %get3A_262 : vector<1x16xf32> to vector<16xf32>
        %get3A_264 = arith.index_cast %scan3A_95 : i32 to index
        %get3A_265 = arith.constant 240 : index
        %get3A_266 = tpu.vector_load %arg10[%get3A_264, %get3A_265] {strides = array<i32>} : memref<32x512xf32, #tpu.memory_space<vmem>>, vector<1x16xf32>,
        %get3A_267 = vector.shape_cast %get3A_266 : vector<1x16xf32> to vector<16xf32>
        %sub3A_268 = arith.subf %get3A_263, %get3A_267 : vector<16xf32>
        %mul3A_269 = arith.mulf %sub3A_268, %sub3A_268 : vector<16xf32>
        %add3A_270 = arith.addf %add3A_259, %mul3A_269 : vector<16xf32>
        %get3A_271 = arith.index_cast %scan3A_95 : i32 to index
        %get3A_272 = arith.constant 256 : index
        %get3A_273 = tpu.vector_load %arg8[%get3A_271, %get3A_272] {strides = array<i32>} : memref<32x512xf32, #tpu.memory_space<vmem>>, vector<1x16xf32>,
        %get3A_274 = vector.shape_cast %get3A_273 : vector<1x16xf32> to vector<16xf32>
        %get3A_275 = arith.index_cast %scan3A_95 : i32 to index
        %get3A_276 = arith.constant 256 : index
        %get3A_277 = tpu.vector_load %arg10[%get3A_275, %get3A_276] {strides = array<i32>} : memref<32x512xf32, #tpu.memory_space<vmem>>, vector<1x16xf32>,
        %get3A_278 = vector.shape_cast %get3A_277 : vector<1x16xf32> to vector<16xf32>
        %sub3A_279 = arith.subf %get3A_274, %get3A_278 : vector<16xf32>
        %mul3A_280 = arith.mulf %sub3A_279, %sub3A_279 : vector<16xf32>
        %add3A_281 = arith.addf %add3A_270, %mul3A_280 : vector<16xf32>
        %get3A_282 = arith.index_cast %scan3A_95 : i32 to index
        %get3A_283 = arith.constant 272 : index
        %get3A_284 = tpu.vector_load %arg8[%get3A_282, %get3A_283] {strides = array<i32>} : memref<32x512xf32, #tpu.memory_space<vmem>>, vector<1x16xf32>,
        %get3A_285 = vector.shape_cast %get3A_284 : vector<1x16xf32> to vector<16xf32>
        %get3A_286 = arith.index_cast %scan3A_95 : i32 to index
        %get3A_287 = arith.constant 272 : index
        %get3A_288 = tpu.vector_load %arg10[%get3A_286, %get3A_287] {strides = array<i32>} : memref<32x512xf32, #tpu.memory_space<vmem>>, vector<1x16xf32>,
        %get3A_289 = vector.shape_cast %get3A_288 : vector<1x16xf32> to vector<16xf32>
        %sub3A_290 = arith.subf %get3A_285, %get3A_289 : vector<16xf32>
        %mul3A_291 = arith.mulf %sub3A_290, %sub3A_290 : vector<16xf32>
        %add3A_292 = arith.addf %add3A_281, %mul3A_291 : vector<16xf32>
        %get3A_293 = arith.index_cast %scan3A_95 : i32 to index
        %get3A_294 = arith.constant 288 : index
        %get3A_295 = tpu.vector_load %arg8[%get3A_293, %get3A_294] {strides = array<i32>} : memref<32x512xf32, #tpu.memory_space<vmem>>, vector<1x16xf32>,
        %get3A_296 = vector.shape_cast %get3A_295 : vector<1x16xf32> to vector<16xf32>
        %get3A_297 = arith.index_cast %scan3A_95 : i32 to index
        %get3A_298 = arith.constant 288 : index
        %get3A_299 = tpu.vector_load %arg10[%get3A_297, %get3A_298] {strides = array<i32>} : memref<32x512xf32, #tpu.memory_space<vmem>>, vector<1x16xf32>,
        %get3A_300 = vector.shape_cast %get3A_299 : vector<1x16xf32> to vector<16xf32>
        %sub3A_301 = arith.subf %get3A_296, %get3A_300 : vector<16xf32>
        %mul3A_302 = arith.mulf %sub3A_301, %sub3A_301 : vector<16xf32>
        %add3A_303 = arith.addf %add3A_292, %mul3A_302 : vector<16xf32>
        %get3A_304 = arith.index_cast %scan3A_95 : i32 to index
        %get3A_305 = arith.constant 304 : index
        %get3A_306 = tpu.vector_load %arg8[%get3A_304, %get3A_305] {strides = array<i32>} : memref<32x512xf32, #tpu.memory_space<vmem>>, vector<1x16xf32>,
        %get3A_307 = vector.shape_cast %get3A_306 : vector<1x16xf32> to vector<16xf32>
        %get3A_308 = arith.index_cast %scan3A_95 : i32 to index
        %get3A_309 = arith.constant 304 : index
        %get3A_310 = tpu.vector_load %arg10[%get3A_308, %get3A_309] {strides = array<i32>} : memref<32x512xf32, #tpu.memory_space<vmem>>, vector<1x16xf32>,
        %get3A_311 = vector.shape_cast %get3A_310 : vector<1x16xf32> to vector<16xf32>
        %sub3A_312 = arith.subf %get3A_307, %get3A_311 : vector<16xf32>
        %mul3A_313 = arith.mulf %sub3A_312, %sub3A_312 : vector<16xf32>
        %add3A_314 = arith.addf %add3A_303, %mul3A_313 : vector<16xf32>
        %get3A_315 = arith.index_cast %scan3A_95 : i32 to index
        %get3A_316 = arith.constant 320 : index
        %get3A_317 = tpu.vector_load %arg8[%get3A_315, %get3A_316] {strides = array<i32>} : memref<32x512xf32, #tpu.memory_space<vmem>>, vector<1x16xf32>,
        %get3A_318 = vector.shape_cast %get3A_317 : vector<1x16xf32> to vector<16xf32>
        %get3A_319 = arith.index_cast %scan3A_95 : i32 to index
        %get3A_320 = arith.constant 320 : index
        %get3A_321 = tpu.vector_load %arg10[%get3A_319, %get3A_320] {strides = array<i32>} : memref<32x512xf32, #tpu.memory_space<vmem>>, vector<1x16xf32>,
        %get3A_322 = vector.shape_cast %get3A_321 : vector<1x16xf32> to vector<16xf32>
        %sub3A_323 = arith.subf %get3A_318, %get3A_322 : vector<16xf32>
        %mul3A_324 = arith.mulf %sub3A_323, %sub3A_323 : vector<16xf32>
        %add3A_325 = arith.addf %add3A_314, %mul3A_324 : vector<16xf32>
        %get3A_326 = arith.index_cast %scan3A_95 : i32 to index
        %get3A_327 = arith.constant 336 : index
        %get3A_328 = tpu.vector_load %arg8[%get3A_326, %get3A_327] {strides = array<i32>} : memref<32x512xf32, #tpu.memory_space<vmem>>, vector<1x16xf32>,
        %get3A_329 = vector.shape_cast %get3A_328 : vector<1x16xf32> to vector<16xf32>
        %get3A_330 = arith.index_cast %scan3A_95 : i32 to index
        %get3A_331 = arith.constant 336 : index
        %get3A_332 = tpu.vector_load %arg10[%get3A_330, %get3A_331] {strides = array<i32>} : memref<32x512xf32, #tpu.memory_space<vmem>>, vector<1x16xf32>,
        %get3A_333 = vector.shape_cast %get3A_332 : vector<1x16xf32> to vector<16xf32>
        %sub3A_334 = arith.subf %get3A_329, %get3A_333 : vector<16xf32>
        %mul3A_335 = arith.mulf %sub3A_334, %sub3A_334 : vector<16xf32>
        %add3A_336 = arith.addf %add3A_325, %mul3A_335 : vector<16xf32>
        %get3A_337 = arith.index_cast %scan3A_95 : i32 to index
        %get3A_338 = arith.constant 352 : index
        %get3A_339 = tpu.vector_load %arg8[%get3A_337, %get3A_338] {strides = array<i32>} : memref<32x512xf32, #tpu.memory_space<vmem>>, vector<1x16xf32>,
        %get3A_340 = vector.shape_cast %get3A_339 : vector<1x16xf32> to vector<16xf32>
        %get3A_341 = arith.index_cast %scan3A_95 : i32 to index
        %get3A_342 = arith.constant 352 : index
        %get3A_343 = tpu.vector_load %arg10[%get3A_341, %get3A_342] {strides = array<i32>} : memref<32x512xf32, #tpu.memory_space<vmem>>, vector<1x16xf32>,
        %get3A_344 = vector.shape_cast %get3A_343 : vector<1x16xf32> to vector<16xf32>
        %sub3A_345 = arith.subf %get3A_340, %get3A_344 : vector<16xf32>
        %mul3A_346 = arith.mulf %sub3A_345, %sub3A_345 : vector<16xf32>
        %add3A_347 = arith.addf %add3A_336, %mul3A_346 : vector<16xf32>
        %get3A_348 = arith.index_cast %scan3A_95 : i32 to index
        %get3A_349 = arith.constant 368 : index
        %get3A_350 = tpu.vector_load %arg8[%get3A_348, %get3A_349] {strides = array<i32>} : memref<32x512xf32, #tpu.memory_space<vmem>>, vector<1x16xf32>,
        %get3A_351 = vector.shape_cast %get3A_350 : vector<1x16xf32> to vector<16xf32>
        %get3A_352 = arith.index_cast %scan3A_95 : i32 to index
        %get3A_353 = arith.constant 368 : index
        %get3A_354 = tpu.vector_load %arg10[%get3A_352, %get3A_353] {strides = array<i32>} : memref<32x512xf32, #tpu.memory_space<vmem>>, vector<1x16xf32>,
        %get3A_355 = vector.shape_cast %get3A_354 : vector<1x16xf32> to vector<16xf32>
        %sub3A_356 = arith.subf %get3A_351, %get3A_355 : vector<16xf32>
        %mul3A_357 = arith.mulf %sub3A_356, %sub3A_356 : vector<16xf32>
        %add3A_358 = arith.addf %add3A_347, %mul3A_357 : vector<16xf32>
        %get3A_359 = arith.index_cast %scan3A_95 : i32 to index
        %get3A_360 = arith.constant 384 : index
        %get3A_361 = tpu.vector_load %arg8[%get3A_359, %get3A_360] {strides = array<i32>} : memref<32x512xf32, #tpu.memory_space<vmem>>, vector<1x16xf32>,
        %get3A_362 = vector.shape_cast %get3A_361 : vector<1x16xf32> to vector<16xf32>
        %get3A_363 = arith.index_cast %scan3A_95 : i32 to index
        %get3A_364 = arith.constant 384 : index
        %get3A_365 = tpu.vector_load %arg10[%get3A_363, %get3A_364] {strides = array<i32>} : memref<32x512xf32, #tpu.memory_space<vmem>>, vector<1x16xf32>,
        %get3A_366 = vector.shape_cast %get3A_365 : vector<1x16xf32> to vector<16xf32>
        %sub3A_367 = arith.subf %get3A_362, %get3A_366 : vector<16xf32>
        %mul3A_368 = arith.mulf %sub3A_367, %sub3A_367 : vector<16xf32>
        %add3A_369 = arith.addf %add3A_358, %mul3A_368 : vector<16xf32>
        %get3A_370 = arith.index_cast %scan3A_95 : i32 to index
        %get3A_371 = arith.constant 400 : index
        %get3A_372 = tpu.vector_load %arg8[%get3A_370, %get3A_371] {strides = array<i32>} : memref<32x512xf32, #tpu.memory_space<vmem>>, vector<1x16xf32>,
        %get3A_373 = vector.shape_cast %get3A_372 : vector<1x16xf32> to vector<16xf32>
        %get3A_374 = arith.index_cast %scan3A_95 : i32 to index
        %get3A_375 = arith.constant 400 : index
        %get3A_376 = tpu.vector_load %arg10[%get3A_374, %get3A_375] {strides = array<i32>} : memref<32x512xf32, #tpu.memory_space<vmem>>, vector<1x16xf32>,
        %get3A_377 = vector.shape_cast %get3A_376 : vector<1x16xf32> to vector<16xf32>
        %sub3A_378 = arith.subf %get3A_373, %get3A_377 : vector<16xf32>
        %mul3A_379 = arith.mulf %sub3A_378, %sub3A_378 : vector<16xf32>
        %add3A_380 = arith.addf %add3A_369, %mul3A_379 : vector<16xf32>
        %get3A_381 = arith.index_cast %scan3A_95 : i32 to index
        %get3A_382 = arith.constant 416 : index
        %get3A_383 = tpu.vector_load %arg8[%get3A_381, %get3A_382] {strides = array<i32>} : memref<32x512xf32, #tpu.memory_space<vmem>>, vector<1x16xf32>,
        %get3A_384 = vector.shape_cast %get3A_383 : vector<1x16xf32> to vector<16xf32>
        %get3A_385 = arith.index_cast %scan3A_95 : i32 to index
        %get3A_386 = arith.constant 416 : index
        %get3A_387 = tpu.vector_load %arg10[%get3A_385, %get3A_386] {strides = array<i32>} : memref<32x512xf32, #tpu.memory_space<vmem>>, vector<1x16xf32>,
        %get3A_388 = vector.shape_cast %get3A_387 : vector<1x16xf32> to vector<16xf32>
        %sub3A_389 = arith.subf %get3A_384, %get3A_388 : vector<16xf32>
        %mul3A_390 = arith.mulf %sub3A_389, %sub3A_389 : vector<16xf32>
        %add3A_391 = arith.addf %add3A_380, %mul3A_390 : vector<16xf32>
        %get3A_392 = arith.index_cast %scan3A_95 : i32 to index
        %get3A_393 = arith.constant 432 : index
        %get3A_394 = tpu.vector_load %arg8[%get3A_392, %get3A_393] {strides = array<i32>} : memref<32x512xf32, #tpu.memory_space<vmem>>, vector<1x16xf32>,
        %get3A_395 = vector.shape_cast %get3A_394 : vector<1x16xf32> to vector<16xf32>
        %get3A_396 = arith.index_cast %scan3A_95 : i32 to index
        %get3A_397 = arith.constant 432 : index
        %get3A_398 = tpu.vector_load %arg10[%get3A_396, %get3A_397] {strides = array<i32>} : memref<32x512xf32, #tpu.memory_space<vmem>>, vector<1x16xf32>,
        %get3A_399 = vector.shape_cast %get3A_398 : vector<1x16xf32> to vector<16xf32>
        %sub3A_400 = arith.subf %get3A_395, %get3A_399 : vector<16xf32>
        %mul3A_401 = arith.mulf %sub3A_400, %sub3A_400 : vector<16xf32>
        %add3A_402 = arith.addf %add3A_391, %mul3A_401 : vector<16xf32>
        %get3A_403 = arith.index_cast %scan3A_95 : i32 to index
        %get3A_404 = arith.constant 448 : index
        %get3A_405 = tpu.vector_load %arg8[%get3A_403, %get3A_404] {strides = array<i32>} : memref<32x512xf32, #tpu.memory_space<vmem>>, vector<1x16xf32>,
        %get3A_406 = vector.shape_cast %get3A_405 : vector<1x16xf32> to vector<16xf32>
        %get3A_407 = arith.index_cast %scan3A_95 : i32 to index
        %get3A_408 = arith.constant 448 : index
        %get3A_409 = tpu.vector_load %arg10[%get3A_407, %get3A_408] {strides = array<i32>} : memref<32x512xf32, #tpu.memory_space<vmem>>, vector<1x16xf32>,
        %get3A_410 = vector.shape_cast %get3A_409 : vector<1x16xf32> to vector<16xf32>
        %sub3A_411 = arith.subf %get3A_406, %get3A_410 : vector<16xf32>
        %mul3A_412 = arith.mulf %sub3A_411, %sub3A_411 : vector<16xf32>
        %add3A_413 = arith.addf %add3A_402, %mul3A_412 : vector<16xf32>
        %get3A_414 = arith.index_cast %scan3A_95 : i32 to index
        %get3A_415 = arith.constant 464 : index
        %get3A_416 = tpu.vector_load %arg8[%get3A_414, %get3A_415] {strides = array<i32>} : memref<32x512xf32, #tpu.memory_space<vmem>>, vector<1x16xf32>,
        %get3A_417 = vector.shape_cast %get3A_416 : vector<1x16xf32> to vector<16xf32>
        %get3A_418 = arith.index_cast %scan3A_95 : i32 to index
        %get3A_419 = arith.constant 464 : index
        %get3A_420 = tpu.vector_load %arg10[%get3A_418, %get3A_419] {strides = array<i32>} : memref<32x512xf32, #tpu.memory_space<vmem>>, vector<1x16xf32>,
        %get3A_421 = vector.shape_cast %get3A_420 : vector<1x16xf32> to vector<16xf32>
        %sub3A_422 = arith.subf %get3A_417, %get3A_421 : vector<16xf32>
        %mul3A_423 = arith.mulf %sub3A_422, %sub3A_422 : vector<16xf32>
        %add3A_424 = arith.addf %add3A_413, %mul3A_423 : vector<16xf32>
        %get3A_425 = arith.index_cast %scan3A_95 : i32 to index
        %get3A_426 = arith.constant 480 : index
        %get3A_427 = tpu.vector_load %arg8[%get3A_425, %get3A_426] {strides = array<i32>} : memref<32x512xf32, #tpu.memory_space<vmem>>, vector<1x16xf32>,
        %get3A_428 = vector.shape_cast %get3A_427 : vector<1x16xf32> to vector<16xf32>
        %get3A_429 = arith.index_cast %scan3A_95 : i32 to index
        %get3A_430 = arith.constant 480 : index
        %get3A_431 = tpu.vector_load %arg10[%get3A_429, %get3A_430] {strides = array<i32>} : memref<32x512xf32, #tpu.memory_space<vmem>>, vector<1x16xf32>,
        %get3A_432 = vector.shape_cast %get3A_431 : vector<1x16xf32> to vector<16xf32>
        %sub3A_433 = arith.subf %get3A_428, %get3A_432 : vector<16xf32>
        %mul3A_434 = arith.mulf %sub3A_433, %sub3A_433 : vector<16xf32>
        %add3A_435 = arith.addf %add3A_424, %mul3A_434 : vector<16xf32>
        %get3A_436 = arith.index_cast %scan3A_95 : i32 to index
        %get3A_437 = arith.constant 496 : index
        %get3A_438 = tpu.vector_load %arg8[%get3A_436, %get3A_437] {strides = array<i32>} : memref<32x512xf32, #tpu.memory_space<vmem>>, vector<1x16xf32>,
        %get3A_439 = vector.shape_cast %get3A_438 : vector<1x16xf32> to vector<16xf32>
        %get3A_440 = arith.index_cast %scan3A_95 : i32 to index
        %get3A_441 = arith.constant 496 : index
        %get3A_442 = tpu.vector_load %arg10[%get3A_440, %get3A_441] {strides = array<i32>} : memref<32x512xf32, #tpu.memory_space<vmem>>, vector<1x16xf32>,
        %get3A_443 = vector.shape_cast %get3A_442 : vector<1x16xf32> to vector<16xf32>
        %sub3A_444 = arith.subf %get3A_439, %get3A_443 : vector<16xf32>
        %mul3A_445 = arith.mulf %sub3A_444, %sub3A_444 : vector<16xf32>
        %add3A_446 = arith.addf %add3A_435, %mul3A_445 : vector<16xf32>
        scf.yield %add3A_446 : vector<16xf32>
      }
      %scan3A_87 = arith.constant 32 : i32
      %add3A_88 = arith.constant 2 : i32
      %add3A_89 = arith.addi %add3A_68, %add3A_88 : i32
      %lt3A_90 = arith.constant 16 : i32
      %lt3A_91 = arith.cmpi slt, %add3A_89, %lt3A_90 : i32
      %convert_element_type3A_92 = arith.extui %lt3A_91 : i1 to i32
      %cond3A_93 = arith.constant 0 : i32
      %cond3A_94 = arith.cmpi ne, %convert_element_type3A_92, %cond3A_93 : i32
      scf.if %cond3A_94 {
        %add3A_95 = arith.constant 2 : i32
        %add3A_96 = arith.addi %add3A_68, %add3A_95 : i32
        %mul3A_97 = arith.constant 32 : i32
        %mul3A_98 = arith.muli %add3A_96, %mul3A_97 : i32
        %add3A_99 = arith.addi %mul3A_2, %mul3A_98 : i32
        %dma_start3A_100 = arith.constant 0 : i32
        %dma_start3A_101 = tpu.memref_slice %arg2[%add3A_99, %dma_start3A_100] : memref<16384x512xf32, #tpu.memory_space<hbm>> -> memref<32x512xf32, #tpu.memory_space<hbm>>
        %dma_start3A_102 = arith.constant 0 : i32
        %dma_start3A_103 = tpu.memref_slice %arg2[%add3A_99, %dma_start3A_102] : memref<16384x512xf32, #tpu.memory_space<hbm>> -> memref<32x512xf32, #tpu.memory_space<hbm>>
        tpu.enqueue_dma source(%dma_start3A_103 : memref<32x512xf32, #tpu.memory_space<hbm>>) target(%arg8 : memref<32x512xf32, #tpu.memory_space<vmem>>) target_semaphore(%arg13 : memref<!tpu.dma_semaphore, #tpu.memory_space<semaphore_mem>>)
        %add3A_104 = arith.constant 2 : i32
        %add3A_105 = arith.addi %add3A_68, %add3A_104 : i32
        %mul3A_106 = arith.constant 32 : i32
        %mul3A_107 = arith.muli %add3A_105, %mul3A_106 : i32
        %dma_start3A_108 = tpu.memref_slice %arg6[%mul3A_107] : memref<512xi32, #tpu.memory_space<vmem>> -> memref<32xi32, #tpu.memory_space<vmem>>
        %dma_start3A_109 = arith.constant 0 : i32
        %dma_start3A_110 = arith.constant 0 : i32
        %dma_start3A_111 = tpu.memref_slice %arg4[%dma_start3A_109, %dma_start3A_110] : memref<10000x512xf32, #tpu.memory_space<hbm>> -> memref<10000x512xf32, #tpu.memory_space<hbm>>
        tpu.enqueue_indirect_dma source(%dma_start3A_111 : memref<10000x512xf32, #tpu.memory_space<hbm>>) target(%arg10 : memref<32x512xf32, #tpu.memory_space<vmem>>) offsets(%dma_start3A_108 : memref<32xi32, #tpu.memory_space<vmem>>) semaphore(%arg15 : memref<!tpu.dma_semaphore, #tpu.memory_space<semaphore_mem>>)
      } else {
      }
      scf.yield %scan3A_86 : vector<16xf32>
    }
    %scan3A_32 = arith.constant 8 : i32
    %swap3A = arith.constant 0 : index
    %swap3A_33 = tpu.vector_load %arg11[%swap3A] {strides = array<i32>} : memref<16xf32, #tpu.memory_space<vmem>>, vector<16xf32>,
    %swap3A_34 = vector.shape_cast %swap3A_33 : vector<16xf32> to vector<16xf32>
    %swap3A_35 = vector.shape_cast %scan3A_31 : vector<16xf32> to vector<16xf32>
    tpu.vector_store %arg11[%swap3A], %swap3A_35 {strides = array<i32>} : memref<16xf32, #tpu.memory_space<vmem>>, vector<16xf32>,
    "tpu.region"() ({
      %run_scoped3A = tpu.sem_alloc : memref<!tpu.dma_semaphore, #tpu.memory_space<semaphore_mem>>
      %dma_start3A_36 = arith.constant 0 : i32
      %dma_start3A_37 = tpu.memref_slice %arg5[%add3A, %dma_start3A_36] : memref<32x16xf32, #tpu.memory_space<hbm>> -> memref<1x16xf32, #tpu.memory_space<hbm>>
      %dma_start3A_38 = tpu.memref_squeeze %dma_start3A_37 : memref<1x16xf32, #tpu.memory_space<hbm>> -> memref<16xf32, #tpu.memory_space<hbm>>
      %dma_start3A_39 = arith.constant 0 : i32
      %dma_start3A_40 = tpu.memref_slice %arg5[%add3A, %dma_start3A_39] : memref<32x16xf32, #tpu.memory_space<hbm>> -> memref<1x16xf32, #tpu.memory_space<hbm>>
      %dma_start3A_41 = tpu.memref_squeeze %dma_start3A_40 : memref<1x16xf32, #tpu.memory_space<hbm>> -> memref<16xf32, #tpu.memory_space<hbm>>
      tpu.enqueue_dma source(%arg11 : memref<16xf32, #tpu.memory_space<vmem>>) target(%dma_start3A_41 : memref<16xf32, #tpu.memory_space<hbm>>) target_semaphore(%run_scoped3A : memref<!tpu.dma_semaphore, #tpu.memory_space<semaphore_mem>>)
      %dma_wait3A_42 = arith.constant 0 : i32
      %dma_wait3A_43 = tpu.memref_slice %arg5[%add3A, %dma_wait3A_42] : memref<32x16xf32, #tpu.memory_space<hbm>> -> memref<1x16xf32, #tpu.memory_space<hbm>>
      %dma_wait3A_44 = tpu.memref_squeeze %dma_wait3A_43 : memref<1x16xf32, #tpu.memory_space<hbm>> -> memref<16xf32, #tpu.memory_space<hbm>>
      %dma_wait3A_45 = arith.constant 0 : i32
      %dma_wait3A_46 = tpu.memref_slice %arg5[%add3A, %dma_wait3A_45] : memref<32x16xf32, #tpu.memory_space<hbm>> -> memref<1x16xf32, #tpu.memory_space<hbm>>
      %dma_wait3A_47 = tpu.memref_squeeze %dma_wait3A_46 : memref<1x16xf32, #tpu.memory_space<hbm>> -> memref<16xf32, #tpu.memory_space<hbm>>
      tpu.wait_dma2 semaphore(%run_scoped3A : memref<!tpu.dma_semaphore, #tpu.memory_space<semaphore_mem>>) src(%arg11 : memref<16xf32, #tpu.memory_space<vmem>>) dst(%dma_wait3A_47 : memref<16xf32, #tpu.memory_space<hbm>>)
      tpu.yield
    }) : () -> ()
    return
  }
}

</mosaic_0001>

<sc_bundles>
// kernel: kernel.3.cloned.1.call-start
scs
__scs_entry_jumppad:
0x0: {  	(pc) =	sbr.rel $0x88, $3  }
0x1: {  	(tag) =	ssettag $0x0;
	lr =	simm.s32 $0x1  }
0x2: {  	[smem:$0x3F9E] =	sst lr;
	_ =	strace $0xD0000000  }
0x3: {  	_ = 	snop  }
0x4: {  	_ = 	snop  }
0x5: {  	_ = 	snop  }
0x6: {  	_ = 	snop  }
0x7: {  	_ = 	snop  }
__scs_overlays_trampoline_lowered:
0x8: {  	[smem:$0x3FAD] =	sst s0  }
0x9: {  	[smem:$0x3FAE] =	sst s1  }
0xa: {  	[smem:$0x3FAF] =	sst s2  }
0xb: {  	[smem:$0x3FB0] =	sst s3  }
0xc: {  	[smem:$0x3FB1] =	sst s4  }
0xd: {  	[smem:$0x3FB2] =	sst s5  }
0xe: {  	[smem:$0x3FB3] =	sst s6  }
0xf: {  	[smem:$0x3FB4] =	sst s7  }
0x10: {  	[smem:$0x3FB5] =	sst s8  }
0x11: {  	[smem:$0x3FB6] =	sst s9;
	s0 =	simm.s32 @!p0 $0x0  }
0x12: {  	s1 =	sld [smem:$0x3F9C];
	s0 =	simm.s32 @p0 $0x1  }
0x13: {  	[smem:$0x3FB7] =	sst s0;
	s0 =	simm.s32 @!p1 $0x0  }
0x14: {  	s2 =	sld [smem:$0x3F9B];
	s0 =	simm.s32 @p1 $0x1  }
0x15: {  	[smem:$0x3FB8] =	sst s0;
	s0 =	simm.s32 @!p2 $0x0  }
0x16: {  	s3 =	sld [smem:$0x3FDB];
	s0 =	simm.s32 @p2 $0x1  }
0x17: {  	s4 =	simm.s32 $0x1BF5;
	[smem:$0x3FBA] =	sst s0  }
0x18: {  	s0 =	sld [smem:$0x3F9D];
	_ =	swait.ge [sflag:s4], $0x0  }
0x19: {  	s7 =	sld [smem:$0x3F9E]  }
0x1a: {  	s8 =	sadd.s32 $0xFFFFE003, lr  }
0x1b: {  	s9 =	sadd.s32 $0xFFFFFEF7, lr;
	s5 =	simm.s32 $0xFFFFFFFF;
	p2 =	slt.u32 s8, $0xFFFFF086  }
0x1c: {  	p1 =	slt.u32 s9, $0xF7A;
	s5 =	simm.s32 @!p2 $0x0  }
0x1d: {  	s5 =	simm.s32 @p1 $0x1;
	p0 =	seq.s32 s7, s2  }
0x1e: {  	s7 =	smul.u32 @!p0 $0xF7A, s2;
	p2 =	seq.s32 @!p0 s5, $0x0  }
0x1f: {  	s9 =	smul.u32 $0xF7A, s1;
	s8 =	simm.s32 @!p0 $0x1BF5;
	p2 =	por !p2, p0  }
0x20: {  	[sflag:s8] =	ssyncset.s32 @!p0 $0xFFFFF086;
	s6 =	sadd.s32 @!p0 s3, s7;
	s7 =	simm.s32 @!p0 $0x108  }
0x21: {  	s3 =	sadd.s32 s3, s9;
	s6 =	sadd.s32 @!p0 $0x88, s6;
	s7 =	simm.s32 @p2 $0x1082  }
0x22: {  	[simem:s7], [sflag:s8] =	dma.local @!p0 [hbm:s6], $0xF7A  }
0x23: {  	s9 =	sor.u32 $0xD0000000, s2;
	s6 =	simm.s32 $0x108;
	_ =	swait.ge @!p0 [sflag:s8], $0x0  }
0x24: {  	s3 =	sadd.s32 $0x88, s3;
	s6 =	simm.s32 @!p1 $0x1082;
	[sflag:s4] =	ssyncset.s32 $0xFFFFF086  }
0x25: {  	[simem:s6], [sflag:s4] =	dma.local [hbm:s3], $0xF7A  }
0x26: {  	[smem:$0x3F9E] =	sst s1;
	(tag) =	ssettag s2;
	_ =	strace s9  }
0x27: {  	s1 =	sld [smem:$0x3FAE]  }
0x28: {  	s2 =	sld [smem:$0x3FAF]  }
0x29: {  	s4 =	sld [smem:$0x3FB1]  }
0x2a: {  	p0 =	seq.s32 s5, $0x0;
	s5 =	sld [smem:$0x3FB2]  }
0x2b: {  	s6 =	sld [smem:$0x3FB3]  }
0x2c: {  	s7 =	sld [smem:$0x3FB4]  }
0x2d: {  	s3 =	simm.s32 $0x108;
	s8 =	sld [smem:$0x3FB5]  }
0x2e: {  	s3 =	simm.s32 @!p0 $0x1082;
	s9 =	sld [smem:$0x3FB6]  }
0x2f: {  	lr =	sadd.s32 s0, s3;
	s0 =	sld [smem:$0x3FAD]  }
0x30: {  	s3 =	sld [smem:$0x3FB0]  }
0x31: {  	[smem:$0x3FB9] =	sst s10  }
0x32: {  	s10 =	sld [smem:$0x3FB7];
	_ =	sdelay $0x3  }
0x33: {  	p0 =	seq.s32 s10, $0x1;
	s10 =	sld [smem:$0x3FB9];
	_ =	sdelay $0x3  }
0x34: {  	[smem:$0x3FB9] =	sst s10  }
0x35: {  	s10 =	sld [smem:$0x3FB8];
	_ =	sdelay $0x3  }
0x36: {  	p1 =	seq.s32 s10, $0x1;
	s10 =	sld [smem:$0x3FB9];
	_ =	sdelay $0x3  }
0x37: {  	[smem:$0x3FB9] =	sst s10  }
0x38: {  	s10 =	sld [smem:$0x3FBA]  }
0x39: {  	_ = 	snop;
	(pc) =	sbr.ind lr, $3  }
0x3a: {  	_ = 	snop  }
0x3b: {  	_ = 	snop  }
0x3c: {  	p2 =	seq.s32 s10, $0x1;
	s10 =	sld [smem:$0x3FB9]  }
0x3d: {  	_ =	shalt  }
0x3e: {  	_ =	shalt  }
0x3f: {  	_ =	shalt  }
0x40: {  	_ =	shalt  }
0x41: {  	_ =	shalt  }
0x42: {  	_ =	shalt  }
0x43: {  	_ =	shalt  }
0x44: {  	_ =	shalt  }
0x45: {  	_ =	shalt  }
0x46: {  	_ =	shalt  }
0x47: {  	_ =	shalt  }
0x48: {  	_ =	shalt  }
0x49: {  	_ =	shalt  }
0x4a: {  	_ =	shalt  }
0x4b: {  	_ =	shalt  }
0x4c: {  	_ =	shalt  }
0x4d: {  	_ =	shalt  }
0x4e: {  	_ =	shalt  }
0x4f: {  	_ =	shalt  }
0x50: {  	_ =	shalt  }
0x51: {  	_ =	shalt  }
0x52: {  	_ =	shalt  }
0x53: {  	_ =	shalt  }
0x54: {  	_ =	shalt  }
0x55: {  	_ =	shalt  }
0x56: {  	_ =	shalt  }
0x57: {  	_ =	shalt  }
0x58: {  	_ =	shalt  }
0x59: {  	_ =	shalt  }
0x5a: {  	_ =	shalt  }
0x5b: {  	_ =	shalt  }
0x5c: {  	_ =	shalt  }
0x5d: {  	_ =	shalt  }
0x5e: {  	_ =	shalt  }
0x5f: {  	_ =	shalt  }
0x60: {  	_ =	shalt  }
0x61: {  	_ =	shalt  }
0x62: {  	_ =	shalt  }
0x63: {  	_ =	shalt  }
0x64: {  	_ =	shalt  }
0x65: {  	_ =	shalt  }
0x66: {  	_ =	shalt  }
0x67: {  	_ =	shalt  }
0x68: {  	_ =	shalt  }
0x69: {  	_ =	shalt  }
0x6a: {  	_ =	shalt  }
0x6b: {  	_ =	shalt  }
0x6c: {  	_ =	shalt  }
0x6d: {  	_ =	shalt  }
0x6e: {  	_ =	shalt  }
0x6f: {  	_ =	shalt  }
0x70: {  	_ =	shalt  }
0x71: {  	_ =	shalt  }
0x72: {  	_ =	shalt  }
0x73: {  	_ =	shalt  }
0x74: {  	_ =	shalt  }
0x75: {  	_ =	shalt  }
0x76: {  	_ =	shalt  }
0x77: {  	_ =	shalt  }
0x78: {  	_ =	shalt  }
0x79: {  	_ =	shalt  }
0x7a: {  	_ =	shalt  }
0x7b: {  	_ =	shalt  }
0x7c: {  	_ =	shalt  }
0x7d: {  	_ =	shalt  }
0x7e: {  	_ =	shalt  }
0x7f: {  	_ =	shalt  }
0x80: {  	_ =	shalt  }
0x81: {  	_ =	shalt  }
0x82: {  	_ =	shalt  }
0x83: {  	_ =	shalt  }
0x84: {  	_ =	shalt  }
0x85: {  	_ =	shalt  }
0x86: {  	_ =	shalt  }
0x87: {  	_ =	shalt  }
.Lfunc_end0:
.L_simem_size_0:
called_computation_lowered:
.L_overlay_start_0:
0x88: {  	s2 =	sld [smem:$0x3FD9]  }
0x89: {  	s3 =	sld [smem:$0x3FFE];
	_ =	sdelay $0x1  }
0x8a: {  	s1 =	srdreg.scid  }
0x8b: {  	s0 =	sand.u32 $0x1, s1  }
0x8c: {  	s17 =	sshll.u32 s0, $0xA;
	s2 =	sadd.s32 s3, s2  }
0x8d: {  	s2 =	sadd.s32 s2, s17  }
0x8e: {  	[smem:$0x3FC5] =	sst s2  }
0x8f: {  	_ = 	snop  }
0x90: {  	s2 =	sld [smem:$0x3FC9]  }
0x91: {  	s18 =	sld [smem:$0x3FC8]  }
0x92: {  	s4 =	sld [smem:$0x3FC7];
	(tm) =	ssettm $0x1  }
0x93: {  	s5 =	sld [smem:$0x3FFB];
	_ =	sdelay $0x3  }
0x94: {  	_ =	strace s5  }
0x95: {  	s5 =	sld [smem:$0x3FFC];
	_ =	sdelay $0x3  }
0x96: {  	_ =	strace s5  }
0x97: {  	s5 =	sld [smem:$0x3FFD];
	_ =	sdelay $0x3  }
0x98: {  	_ =	strace s5  }
0x99: {  	_ =	strace $0x8FFFFFFF  }
0x9a: {  	s19 =	sld [smem:$0x3FDB];
	_ =	sdelay $0x1  }
0x9b: {  	s6 =	simm.s32 $_scs_section_size  }
0x9c: {  	s7 =	simm.s32 $_size__tile_overlayer_lowered;
	s8 =	simm.s32 $_tile_overlayer_lowered  }
0x9d: {  	s22 =	simm.s32 $0x1BFF;
	s21 =	sshll.u32 s8, $0x1;
	s5 =	sadd.s32 s6, s19  }
0x9e: {  	s9 =	simm.s32 $0x0;
	s20 =	sshll.u32 s7, $0x1;
	s7 =	sadd.s32 s21, s5  }
0x9f: {  	[timem:s9], [sflag:s22] =	dma.local [hbm:s7], s20  }
0xa0: {  	_ =	swait.ge [sflag:s22], s20  }
0xa1: {  	s6 =	ssub.s32 $0x0, s20;
	[sflag:s22] =	ssyncset.done $0x0  }
0xa2: {  	[sflag:s22] =	ssyncadd.s32 s6;
	_ =	sdelay $0x1  }
0xa3: {  	s23 =	simm.s32 $0x1B8B  }
0xa4: {  	_ =	swait.ge [sflag:s23], $0x1  }
0xa5: {  	[sflag:s23] =	ssyncset.done $0x0  }
0xa6: {  	s25 =	simm.s32 $0x1B8E;
	s24 =	sld [smem:$0x3FFE];
	[sflag:s23] =	ssyncadd.s32 $0xFFFFFFFF  }
0xa7: {  	s26 =	simm.s32 $execute0_lowered;
	[smem:$0x3FD2] =	sst s25  }
0xa8: {  	s7 =	sshll.u32 s26, $0x1;
	_ =	strace $0x80000046;
	[dreg:$0x1] =	wrdreg $0xFFFFFFFF  }
0xa9: {  	s28 =	simm.s32 $_size_execute0_lowered;
	s5 =	sadd.s32 s5, s7;
	[dreg:$0x0] =	wrdreg $0x0  }
0xaa: {  	s7 =	sshll.u32 s28, $0x1;
	[dreg:$0x2] =	wrdreg s5  }
0xab: {  	[dreg:$0x3] =	wrdreg s7  }
0xac: {  	[dreg:$0x4] =	wrdreg $0xC0  }
0xad: {  	_ =	task [dreg:s9], $0x5FFFF  }
0xae: {  	[dreg:$0x1] =	wrdreg $0xFFFFFFFF  }
0xaf: {  	[dreg:$0x0] =	wrdreg $0x60  }
0xb0: {  	[dreg:$0x2] =	wrdreg s2  }
0xb1: {  	[dreg:$0x3] =	wrdreg s18  }
0xb2: {  	[dreg:$0x4] =	wrdreg s4  }
0xb3: {  	[dreg:$0x5] =	wrdreg s24  }
0xb4: {  	[dreg:$0x6] =	wrdreg $0x9  }
0xb5: {  	_ =	task.clear_ibuf [dreg:s9], $0x7FFFF;
	_ =	strace $0x90000046  }
0xb6: {  	s29 =	simm.s32 $0x9;
	_ =	strace $0x80000048  }
0xb7: {  	_ =	swait.ge [sflag:s29], $0x1  }
0xb8: {  	[sflag:s29] =	ssyncadd.s32 $0xFFFFFFFF  }
0xb9: {  	_ =	strace $0x90000048  }
0xba: {  	_ =	sfence  }
0xbb: {  	s30 =	sld [smem:$0x0];
	_ =	sdelay $0x2  }
0xbc: {  	s31 =	sshll.u32 s1, $0xD;
	s1 =	sshrl.u32 s1, $0x2  }
0xbd: {  	s3 =	sand.u32 $0x4000, s31;
	s1 =	sadd.s32 s1, s30  }
0xbe: {  	s0 =	sor.u32 s3, s0;
	s1 =	sshll.u32 s1, $0x11  }
0xbf: {  	s0 =	sor.u32 s1, s0  }
0xc0: {  	s0 =	sadd.s32 $0x8F2B, s0  }
0xc1: {  	[sflag:s0] =	ssyncadd.remote.s32 $0x1  }
0xc2: {  	_ =	sfence.sel $0xFFFF  }
0xc3: {  	[dreg:$0x0] =	wrdreg $0xFFFFFFFF;
	(pc) =	sbr.abs _section_cstart, $3  }
0xc4: {  	[dreg:$0x1] =	wrdreg $0xFFFFFFFF  }
0xc5: {  	_ =	task.clear_ibuf [dreg:s9], $0x2FFFF;
	_ =	strace $0x9FFFFFFF  }
0xc6: {  	(tm) =	ssettm $0x7FFFFFFF  }
0xc7: {  	_ =	shalt  }
tec
execute0_lowered:
.L_overlay_start_1:
0x0: {  	(tag) =	ssettag $0x1  }
0x1: {  	s1 =	rddreg [dreg:$0x0]  }
0x2: {  	s0 =	rddreg [dreg:$0x1]  }
0x3: {  	s2 =	rddreg [dreg:$0x2]  }
0x4: {  	s3 =	rddreg [dreg:$0x3];
	s4 =	srdreg.scid  }
0x5: {  	s8 =	stileid.u32;
	s13 =	simm.s32 $0x4200;
	s14 =	simm.s32 $0x5  }
0x6: {  	s23 =	simm.s32 $0xC200;
	s28 =	simm.s32 $0xE200;
	s29 =	simm.s32 $0xEA00  }
0x7: {  	s30 =	simm.s32 $0xF200;
	s31 =	simm.s32 $0xFA00;
	s12 =	simm.s32 $0x2  }
0x8: {  	s15 =	simm.s32 $0x4;
	s17 =	simm.s32 $0x6;
	s18 =	simm.s32 $0x0  }
0x9: {  	s5 =	sand.u32 $0x1, s4;
	s4 =	simm.s32 $0x0;
	s8 =	sshll.u32 s8, $0x1  }
0xa: {  	s6 =	ssub.s32 $0x2, s5;
	[smem:$0x7FF] =	sst s4;
	s8 =	sor.u32 s5, s8  }
0xb: {  	s7 =	sshrl.u32 s6, $0x1;
	_ =	strace $0x80000047;
	s5 =	sshll.u32 s8, $0x9  }
0xc: {  	s24 =	sshll.u32 s8, $0x6;
	s9 =	sshll.u32 s8, $0xF;
	s25 =	sshll.u32 s8, $0x4  }
.Ltmp0:
0xd: {  	s6 =	ssub.s32 s6, s7;
	s0 =	sadd.s32 s0, s24;
	(pc) =	sbr.rel .LBB2_1-.Ltmp0, $4  }
0xe: {  	s7 =	sadd.s32 s1, s9;
	s9 =	sadd.s32 $0x100, s2;
	s10 =	sadd.s32 s3, s25  }
0xf: {  	v2 =	vlaneseq.u32;
	s24 =	simm.s32 $0xCA00;
	s25 =	simm.s32 $0xD200;
	s3 =	simm.s32 $0x3  }
0x10: {  	vm0 =	vmmov $0xffff;
	v1 =	vshrl.u32 v2, $0x3;
	[dreg:$0x5] =	wrdreg s0;
	s26 =	sadd.s32 $0x800, s7;
	s11 =	smax.u32 s6, $0x1  }
0x11: {  	v0 =	vand.u32 $0x7, v2;
	v2 =	vor.u32 $0x8, v2;
	v1 =	vmul.u32 $0x8, v1;
	s0 =	simm.s32 $0x1;
	[dreg:$0x6] =	wrdreg s26;
	s26 =	simm.s32 $0xDA00  }
.LBB2_8:
0x12: {  	s18 =	sadd.s32 $0x1, s18  }
0x13: {  	p0 =	sne.s32 s18, s11  }
.Ltmp1:
0x14: {  	[tilespmem:$0x10200] =	vst v3;
	s6 =	simm.s32 $0x10200;
	(pc) =	sbr.rel @!p0 .LBB2_9-.Ltmp1, $4  }
0x15: {  	[hbm4b:s10+s4] =	stream.linear.scatter [tilespmem:s6], [sflag:$0x6], $0x80, $0x38;
	[tilespmem:$0x10280] =	vst v63  }
0x16: {  	_ =	swait.ge [sflag:s17], $0x80  }
0x17: {  	[sflag:s17] =	ssyncset.done $0x0  }
0x18: {  	[sflag:s17] =	ssyncadd.s32 $0xFFFFFF80  }
.LBB2_1:
0x19: {  	s6 =	rddreg [dreg:$0x5]  }
0x1a: {  	[tilespmem:s4], [sflag:$0x5] =	stream.linear.gather [hbm4b:s6+s4], $0x200, $0x38;
	[tilespmem:$0x10280] =	vst v63  }
0x1b: {  	s19 =	simm.s32 $0x200  }
0x1c: {  	[tilespmem:s19], [sflag:$0x1] =	stream.linear.gather [hbm4b:s7+s4], $0x4000, $0x38;
	[tilespmem:$0x10280] =	vst v63  }
0x1d: {  	s20 =	rddreg [dreg:$0x6]  }
0x1e: {  	[tilespmem:s13], [sflag:$0x2] =	stream.linear.gather [hbm4b:s20+s4], $0x4000, $0x38;
	[tilespmem:$0x10280] =	vst v63  }
0x1f: {  	_ =	swait.ge [sflag:s14], $0x200  }
0x20: {  	[sflag:s14] =	ssyncset.done $0x0  }
0x21: {  	[sflag:s14] =	ssyncadd.s32 $0xFFFFFE00  }
0x22: {  	v3 =	vld [tilespmem:$0x0];
	_ =	sdelay $0x4  }
0x23: {  	v4 =	vshll.u32 v3, $0x2  }
0x24: {  	v3 =	vand.u32 $0x7, v3;
	v4 =	vand.u32 $0xFFFFFFE0, v4  }
0x25: {  	v3 =	vor.u32 v3, v4  }
0x26: {  	v4 =	vperm.xlane v3, v0;
	_ =	sdelay $0x1  }
0x27: {  	v4 =	vadd.s32 v1, v4;
	_ =	sdelay $0x1  }
0x28: {  	v3 =	vperm.xlane v3, v2;
	_ =	sdelay $0x1  }
0x29: {  	s21 =	simm.s32 $0x8200;
	v3 =	vadd.s32 v1, v3  }
0x2a: {  	[tilespmem:s21], [sflag:$0x3] =	stream.indirect_vreg.gather [hbm4b:s2+s4], $0x80, v4, vm0, $0xb8;
	[tilespmem:$0x10280] =	vst v63  }
0x2b: {  	s22 =	simm.s32 $0x8A00  }
0x2c: {  	[tilespmem:s22], [sflag:$0x3] =	stream.indirect_vreg.gather [hbm4b:s9+s4], $0x80, v4, vm0, $0xb8;
	[tilespmem:$0x10280] =	vst v63  }
0x2d: {  	s8 =	simm.s32 $0x9200  }
0x2e: {  	[tilespmem:s8], [sflag:$0x3] =	stream.indirect_vreg.gather [hbm4b:s2+s4], $0x80, v3, vm0, $0xb8;
	[tilespmem:$0x10280] =	vst v63  }
0x2f: {  	s16 =	simm.s32 $0x9A00  }
0x30: {  	[tilespmem:s16], [sflag:$0x3] =	stream.indirect_vreg.gather [hbm4b:s9+s4], $0x80, v3, vm0, $0xb8;
	[tilespmem:$0x10280] =	vst v63  }
0x31: {  	v3 =	vld [tilespmem:$0x10];
	_ =	sdelay $0x4  }
0x32: {  	v4 =	vshll.u32 v3, $0x2  }
0x33: {  	v3 =	vand.u32 $0x7, v3;
	v4 =	vand.u32 $0xFFFFFFE0, v4  }
0x34: {  	v3 =	vor.u32 v3, v4  }
0x35: {  	v4 =	vperm.xlane v3, v0;
	_ =	sdelay $0x1  }
0x36: {  	v4 =	vadd.s32 v1, v4;
	_ =	sdelay $0x1  }
0x37: {  	v3 =	vperm.xlane v3, v2;
	_ =	sdelay $0x1  }
0x38: {  	s19 =	simm.s32 $0xA200;
	v3 =	vadd.s32 v1, v3  }
0x39: {  	[tilespmem:s19], [sflag:$0x3] =	stream.indirect_vreg.gather [hbm4b:s2+s4], $0x80, v4, vm0, $0xb8;
	[tilespmem:$0x10280] =	vst v63  }
0x3a: {  	s20 =	simm.s32 $0xAA00  }
0x3b: {  	[tilespmem:s20], [sflag:$0x3] =	stream.indirect_vreg.gather [hbm4b:s9+s4], $0x80, v4, vm0, $0xb8;
	[tilespmem:$0x10280] =	vst v63  }
0x3c: {  	s21 =	simm.s32 $0xB200  }
0x3d: {  	[tilespmem:s21], [sflag:$0x3] =	stream.indirect_vreg.gather [hbm4b:s2+s4], $0x80, v3, vm0, $0xb8;
	[tilespmem:$0x10280] =	vst v63  }
0x3e: {  	s22 =	simm.s32 $0xBA00  }
0x3f: {  	[tilespmem:s22], [sflag:$0x3] =	stream.indirect_vreg.gather [hbm4b:s9+s4], $0x80, v3, vm0, $0xb8;
	[tilespmem:$0x10280] =	vst v63  }
0x40: {  	v3 =	vld [tilespmem:$0x20];
	_ =	sdelay $0x4  }
0x41: {  	v4 =	vshll.u32 v3, $0x2  }
0x42: {  	v3 =	vand.u32 $0x7, v3;
	v4 =	vand.u32 $0xFFFFFFE0, v4  }
0x43: {  	v3 =	vor.u32 v3, v4  }
0x44: {  	v4 =	vperm.xlane v3, v0;
	_ =	sdelay $0x1  }
0x45: {  	v4 =	vadd.s32 v1, v4;
	_ =	sdelay $0x1  }
0x46: {  	v3 =	vperm.xlane v3, v2;
	_ =	sdelay $0x1  }
0x47: {  	v3 =	vadd.s32 v1, v3  }
0x48: {  	[tilespmem:s23], [sflag:$0x4] =	stream.indirect_vreg.gather [hbm4b:s2+s4], $0x80, v4, vm0, $0xb8;
	[tilespmem:$0x10280] =	vst v63  }
0x49: {  	_ = 	snop  }
0x4a: {  	[tilespmem:s24], [sflag:$0x4] =	stream.indirect_vreg.gather [hbm4b:s9+s4], $0x80, v4, vm0, $0xb8;
	[tilespmem:$0x10280] =	vst v63  }
0x4b: {  	_ = 	snop  }
0x4c: {  	[tilespmem:s25], [sflag:$0x4] =	stream.indirect_vreg.gather [hbm4b:s2+s4], $0x80, v3, vm0, $0xb8;
	[tilespmem:$0x10280] =	vst v63  }
0x4d: {  	_ = 	snop  }
0x4e: {  	[tilespmem:s26], [sflag:$0x4] =	stream.indirect_vreg.gather [hbm4b:s9+s4], $0x80, v3, vm0, $0xb8;
	[tilespmem:$0x10280] =	vst v63  }
0x4f: {  	v3 =	vld [tilespmem:$0x30];
	_ =	sdelay $0x4  }
0x50: {  	v4 =	vshll.u32 v3, $0x2  }
0x51: {  	v3 =	vand.u32 $0x7, v3;
	v4 =	vand.u32 $0xFFFFFFE0, v4  }
0x52: {  	v3 =	vor.u32 v3, v4  }
0x53: {  	v4 =	vperm.xlane v3, v0;
	_ =	sdelay $0x1  }
0x54: {  	v4 =	vadd.s32 v1, v4;
	_ =	sdelay $0x1  }
0x55: {  	v3 =	vperm.xlane v3, v2;
	_ =	sdelay $0x1  }
0x56: {  	v3 =	vadd.s32 v1, v3  }
0x57: {  	[tilespmem:s28], [sflag:$0x4] =	stream.indirect_vreg.gather [hbm4b:s2+s4], $0x80, v4, vm0, $0xb8;
	[tilespmem:$0x10280] =	vst v63  }
0x58: {  	_ = 	snop  }
0x59: {  	[tilespmem:s29], [sflag:$0x4] =	stream.indirect_vreg.gather [hbm4b:s9+s4], $0x80, v4, vm0, $0xb8;
	[tilespmem:$0x10280] =	vst v63  }
0x5a: {  	_ = 	snop  }
0x5b: {  	[tilespmem:s30], [sflag:$0x4] =	stream.indirect_vreg.gather [hbm4b:s2+s4], $0x80, v3, vm0, $0xb8;
	[tilespmem:$0x10280] =	vst v63  }
0x5c: {  	s19 =	simm.s32 $0x0  }
0x5d: {  	[tilespmem:s31], [sflag:$0x4] =	stream.indirect_vreg.gather [hbm4b:s9+s4], $0x80, v3, vm0, $0xb8;
	v3 =	vimm.f32 $0.0e+00;
	[tilespmem:$0x10280] =	vst v63  }
.LBB2_2:
0x5e: {  	_ =	swait.ge [sflag:s0], $0x4000  }
0x5f: {  	[sflag:s0] =	ssyncset.done $0x0  }
0x60: {  	[sflag:s0] =	ssyncadd.s32 $0xFFFFC000  }
0x61: {  	s6 =	simm.s32 $0x0;
	_ =	swait.ge [sflag:s3], $0x4000  }
0x62: {  	s16 =	sand.u32 $0x3000, s6;
	s6 =	sand.u32 $0x380, s6;
	[sflag:s3] =	ssyncset.done $0x0  }
0x63: {  	s6 =	sor.u32 s6, s16;
	[sflag:s3] =	ssyncadd.s32 $0xFFFFC000  }
0x64: {  	v4 =	vld [tilespmem:s6+$0x200]  }
0x65: {  	v5 =	vld [tilespmem:s6+$0x8200]  }
0x66: {  	v6 =	vld [tilespmem:s6+$0x210]  }
0x67: {  	v7 =	vld [tilespmem:s6+$0x8210]  }
0x68: {  	v8 =	vld [tilespmem:s6+$0x220]  }
0x69: {  	v9 =	vld [tilespmem:s6+$0x8220]  }
0x6a: {  	v10 =	vld [tilespmem:s6+$0x230];
	v4 =	vsub.f32 v4, v5  }
0x6b: {  	v5 =	vld [tilespmem:s6+$0x8230]  }
0x6c: {  	v11 =	vld [tilespmem:s6+$0x240];
	v6 =	vsub.f32 v6, v7;
	v4 =	vmul.f32 v4, v4  }
0x6d: {  	v7 =	vld [tilespmem:s6+$0x8240]  }
0x6e: {  	v12 =	vld [tilespmem:s6+$0x250];
	v3 =	vadd.f32 v4, v3;
	v4 =	vmul.f32 v6, v6;
	v6 =	vsub.f32 v8, v9  }
0x6f: {  	v8 =	vld [tilespmem:s6+$0x8250]  }
0x70: {  	v9 =	vld [tilespmem:s6+$0x260];
	v5 =	vsub.f32 v10, v5;
	v3 =	vadd.f32 v4, v3;
	v4 =	vmul.f32 v6, v6  }
0x71: {  	v6 =	vld [tilespmem:s6+$0x8260]  }
0x72: {  	v10 =	vld [tilespmem:s6+$0x270];
	v3 =	vadd.f32 v4, v3;
	v4 =	vmul.f32 v5, v5;
	v5 =	vsub.f32 v11, v7  }
0x73: {  	v7 =	vld [tilespmem:s6+$0x8270]  }
0x74: {  	v11 =	vld [tilespmem:s6+$0x600];
	v3 =	vadd.f32 v4, v3;
	v4 =	vmul.f32 v5, v5;
	v5 =	vsub.f32 v12, v8  }
0x75: {  	v8 =	vld [tilespmem:s6+$0x8600]  }
0x76: {  	v58 =	vld [tilespmem:s6+$0x610];
	v3 =	vadd.f32 v4, v3;
	v4 =	vmul.f32 v5, v5;
	v5 =	vsub.f32 v9, v6  }
0x77: {  	v6 =	vld [tilespmem:s6+$0x8610]  }
0x78: {  	v9 =	vld [tilespmem:s6+$0x620];
	v3 =	vadd.f32 v4, v3;
	v4 =	vmul.f32 v5, v5;
	v5 =	vsub.f32 v10, v7  }
0x79: {  	v7 =	vld [tilespmem:s6+$0x8620]  }
0x7a: {  	v10 =	vld [tilespmem:s6+$0x630];
	v3 =	vadd.f32 v4, v3;
	v4 =	vmul.f32 v5, v5;
	v5 =	vsub.f32 v11, v8  }
0x7b: {  	v8 =	vld [tilespmem:s6+$0x8630]  }
0x7c: {  	v11 =	vld [tilespmem:s6+$0x640];
	v3 =	vadd.f32 v4, v3;
	v4 =	vmul.f32 v5, v5;
	v5 =	vsub.f32 v58, v6  }
0x7d: {  	v6 =	vld [tilespmem:s6+$0x8640]  }
0x7e: {  	v59 =	vld [tilespmem:s6+$0x650];
	v3 =	vadd.f32 v4, v3;
	v4 =	vmul.f32 v5, v5;
	v5 =	vsub.f32 v9, v7  }
0x7f: {  	v7 =	vld [tilespmem:s6+$0x8650]  }
0x80: {  	v9 =	vld [tilespmem:s6+$0x660];
	v3 =	vadd.f32 v4, v3;
	v4 =	vmul.f32 v5, v5;
	v5 =	vsub.f32 v10, v8  }
0x81: {  	v8 =	vld [tilespmem:s6+$0x8660]  }
0x82: {  	v10 =	vld [tilespmem:s6+$0x670];
	v3 =	vadd.f32 v4, v3;
	v4 =	vmul.f32 v5, v5;
	v5 =	vsub.f32 v11, v6  }
0x83: {  	v6 =	vld [tilespmem:s6+$0x8670]  }
0x84: {  	v11 =	vld [tilespmem:s6+$0xA00];
	v3 =	vadd.f32 v4, v3;
	v4 =	vmul.f32 v5, v5;
	v5 =	vsub.f32 v59, v7  }
0x85: {  	v7 =	vld [tilespmem:s6+$0x8A00]  }
0x86: {  	v60 =	vld [tilespmem:s6+$0xA10];
	v3 =	vadd.f32 v4, v3;
	v4 =	vmul.f32 v5, v5;
	v5 =	vsub.f32 v9, v8  }
0x87: {  	v8 =	vld [tilespmem:s6+$0x8A10]  }
0x88: {  	v9 =	vld [tilespmem:s6+$0xA20];
	v3 =	vadd.f32 v4, v3;
	v4 =	vmul.f32 v5, v5;
	v5 =	vsub.f32 v10, v6  }
0x89: {  	v6 =	vld [tilespmem:s6+$0x8A20]  }
0x8a: {  	v10 =	vld [tilespmem:s6+$0xA30];
	v3 =	vadd.f32 v4, v3;
	v4 =	vmul.f32 v5, v5;
	v5 =	vsub.f32 v11, v7  }
0x8b: {  	v7 =	vld [tilespmem:s6+$0x8A30]  }
0x8c: {  	v11 =	vld [tilespmem:s6+$0xA40];
	v3 =	vadd.f32 v4, v3;
	v4 =	vmul.f32 v5, v5;
	v5 =	vsub.f32 v60, v8  }
0x8d: {  	v8 =	vld [tilespmem:s6+$0x8A40]  }
0x8e: {  	v61 =	vld [tilespmem:s6+$0xA50];
	v3 =	vadd.f32 v4, v3;
	v4 =	vmul.f32 v5, v5;
	v5 =	vsub.f32 v9, v6  }
0x8f: {  	v6 =	vld [tilespmem:s6+$0x8A50]  }
0x90: {  	v9 =	vld [tilespmem:s6+$0xA60];
	v3 =	vadd.f32 v4, v3;
	v4 =	vmul.f32 v5, v5;
	v5 =	vsub.f32 v10, v7  }
0x91: {  	v7 =	vld [tilespmem:s6+$0x8A60]  }
0x92: {  	v10 =	vld [tilespmem:s6+$0xA70];
	v3 =	vadd.f32 v4, v3;
	v4 =	vmul.f32 v5, v5;
	v5 =	vsub.f32 v11, v8  }
0x93: {  	v8 =	vld [tilespmem:s6+$0x8A70]  }
0x94: {  	v11 =	vld [tilespmem:s6+$0xE00];
	v3 =	vadd.f32 v4, v3;
	v4 =	vmul.f32 v5, v5;
	v5 =	vsub.f32 v61, v6  }
0x95: {  	v6 =	vld [tilespmem:s6+$0x8E00]  }
0x96: {  	v62 =	vld [tilespmem:s6+$0xE10];
	v3 =	vadd.f32 v4, v3;
	v4 =	vmul.f32 v5, v5;
	v5 =	vsub.f32 v9, v7  }
0x97: {  	v7 =	vld [tilespmem:s6+$0x8E10]  }
0x98: {  	v9 =	vld [tilespmem:s6+$0xE20];
	v3 =	vadd.f32 v4, v3;
	v4 =	vmul.f32 v5, v5;
	v5 =	vsub.f32 v10, v8  }
0x99: {  	v8 =	vld [tilespmem:s6+$0x8E20]  }
0x9a: {  	v10 =	vld [tilespmem:s6+$0xE30];
	v3 =	vadd.f32 v4, v3;
	v4 =	vmul.f32 v5, v5;
	v5 =	vsub.f32 v11, v6  }
0x9b: {  	v6 =	vld [tilespmem:s6+$0x8E30]  }
0x9c: {  	v63 =	vld [tilespmem:s6+$0x8E40];
	v7 =	vsub.f32 v62, v7;
	v4 =	vadd.f32 v4, v3;
	v5 =	vmul.f32 v5, v5  }
0x9d: {  	v11 =	vld [tilespmem:s6+$0xE40]  }
0x9e: {  	v3 =	vld [tilespmem:s6+$0xE50];
	v7 =	vmul.f32 v7, v7;
	v8 =	vsub.f32 v9, v8;
	v13 =	vadd.f32 v5, v4  }
0x9f: {  	v5 =	vld [tilespmem:s6+$0x8E50]  }
0xa0: {  	v4 =	vld [tilespmem:s6+$0xE60];
	v8 =	vmul.f32 v8, v8;
	v10 =	vsub.f32 v10, v6;
	v9 =	vadd.f32 v7, v13  }
0xa1: {  	s22 =	simm.s32 $0x200;
	s20 =	simm.s32 $0x80;
	v6 =	vld [tilespmem:s6+$0x8E60]  }
0xa2: {  	s21 =	sand.u32 $0x380, s20;
	s16 =	sand.u32 $0x3000, s22;
	v11 =	vsub.f32 v11, v63;
	v7 =	vld [tilespmem:s6+$0xE70];
	v10 =	vmul.f32 v10, v10;
	v9 =	vadd.f32 v8, v9  }
0xa3: {  	s22 =	simm.s32 $0x400;
	s21 =	sor.u32 s21, s16;
	v8 =	vld [tilespmem:s6+$0x8E70]  }
.LBB2_3:
0xa4: {  	p0 =	sne.s32 s22, $0x3E00;
	v12 =	vld [tilespmem:s21+$0x200];
	v9 =	vadd.f32 v10, v9;
	v10 =	vmul.f32 v11, v11;
	v3 =	vsub.f32 v3, v5  }
0xa5: {  	v5 =	vld [tilespmem:s21+$0x8200]  }
0xa6: {  	v11 =	vld [tilespmem:s21+$0x210];
	v9 =	vadd.f32 v10, v9;
	v3 =	vmul.f32 v3, v3;
	v4 =	vsub.f32 v4, v6  }
0xa7: {  	v6 =	vld [tilespmem:s21+$0x8210]  }
0xa8: {  	v10 =	vld [tilespmem:s21+$0x220];
	v3 =	vadd.f32 v3, v9;
	v4 =	vmul.f32 v4, v4;
	v7 =	vsub.f32 v7, v8  }
0xa9: {  	v8 =	vld [tilespmem:s21+$0x8220]  }
0xaa: {  	v5 =	vsub.f32 v12, v5;
	v9 =	vld [tilespmem:s21+$0x230];
	v3 =	vadd.f32 v4, v3;
	v4 =	vmul.f32 v7, v7  }
0xab: {  	v7 =	vld [tilespmem:s21+$0x8230]  }
0xac: {  	v5 =	vmul.f32 v5, v5;
	v6 =	vsub.f32 v11, v6;
	v11 =	vld [tilespmem:s21+$0x240];
	v3 =	vadd.f32 v4, v3  }
0xad: {  	v4 =	vld [tilespmem:s21+$0x8240]  }
0xae: {  	v3 =	vadd.f32 v5, v3;
	v5 =	vmul.f32 v6, v6;
	v6 =	vsub.f32 v10, v8;
	v8 =	vld [tilespmem:s21+$0x250]  }
0xaf: {  	v10 =	vld [tilespmem:s21+$0x8250]  }
0xb0: {  	v3 =	vadd.f32 v5, v3;
	v5 =	vmul.f32 v6, v6;
	v6 =	vsub.f32 v9, v7;
	v7 =	vld [tilespmem:s21+$0x260]  }
0xb1: {  	v9 =	vld [tilespmem:s21+$0x8260]  }
0xb2: {  	v3 =	vadd.f32 v5, v3;
	v5 =	vmul.f32 v6, v6;
	v4 =	vsub.f32 v11, v4;
	v6 =	vld [tilespmem:s21+$0x270]  }
0xb3: {  	v11 =	vld [tilespmem:s21+$0x8270]  }
0xb4: {  	v3 =	vadd.f32 v5, v3;
	v4 =	vmul.f32 v4, v4;
	v5 =	vsub.f32 v8, v10;
	v8 =	vld [tilespmem:s21+$0x600]  }
0xb5: {  	v10 =	vld [tilespmem:s21+$0x8600]  }
0xb6: {  	v3 =	vadd.f32 v4, v3;
	v4 =	vmul.f32 v5, v5;
	v5 =	vsub.f32 v7, v9;
	v7 =	vld [tilespmem:s21+$0x610]  }
0xb7: {  	v9 =	vld [tilespmem:s21+$0x8610]  }
0xb8: {  	v3 =	vadd.f32 v4, v3;
	v4 =	vmul.f32 v5, v5;
	v5 =	vsub.f32 v6, v11;
	v6 =	vld [tilespmem:s21+$0x620]  }
0xb9: {  	v11 =	vld [tilespmem:s21+$0x8620]  }
0xba: {  	v3 =	vadd.f32 v4, v3;
	v4 =	vmul.f32 v5, v5;
	v5 =	vsub.f32 v8, v10;
	v8 =	vld [tilespmem:s21+$0x630]  }
0xbb: {  	v10 =	vld [tilespmem:s21+$0x8630]  }
0xbc: {  	v3 =	vadd.f32 v4, v3;
	v4 =	vmul.f32 v5, v5;
	v5 =	vsub.f32 v7, v9;
	v7 =	vld [tilespmem:s21+$0x640]  }
0xbd: {  	v9 =	vld [tilespmem:s21+$0x8640]  }
0xbe: {  	v3 =	vadd.f32 v4, v3;
	v4 =	vmul.f32 v5, v5;
	v5 =	vsub.f32 v6, v11;
	v6 =	vld [tilespmem:s21+$0x650]  }
0xbf: {  	v11 =	vld [tilespmem:s21+$0x8650]  }
0xc0: {  	v3 =	vadd.f32 v4, v3;
	v4 =	vmul.f32 v5, v5;
	v5 =	vsub.f32 v8, v10;
	v8 =	vld [tilespmem:s21+$0x660]  }
0xc1: {  	v10 =	vld [tilespmem:s21+$0x8660]  }
0xc2: {  	v3 =	vadd.f32 v4, v3;
	v4 =	vmul.f32 v5, v5;
	v5 =	vsub.f32 v7, v9;
	v7 =	vld [tilespmem:s21+$0x670]  }
0xc3: {  	v9 =	vld [tilespmem:s21+$0x8670]  }
0xc4: {  	v3 =	vadd.f32 v4, v3;
	v4 =	vmul.f32 v5, v5;
	v5 =	vsub.f32 v6, v11;
	v6 =	vld [tilespmem:s21+$0xA00]  }
0xc5: {  	v11 =	vld [tilespmem:s21+$0x8A00]  }
0xc6: {  	v3 =	vadd.f32 v4, v3;
	v4 =	vmul.f32 v5, v5;
	v5 =	vsub.f32 v8, v10;
	v8 =	vld [tilespmem:s21+$0xA10]  }
0xc7: {  	v10 =	vld [tilespmem:s21+$0x8A10]  }
0xc8: {  	v3 =	vadd.f32 v4, v3;
	v4 =	vmul.f32 v5, v5;
	v5 =	vsub.f32 v7, v9;
	v7 =	vld [tilespmem:s21+$0xA20]  }
0xc9: {  	v9 =	vld [tilespmem:s21+$0x8A20]  }
0xca: {  	v3 =	vadd.f32 v4, v3;
	v4 =	vmul.f32 v5, v5;
	v5 =	vsub.f32 v6, v11;
	v6 =	vld [tilespmem:s21+$0xA30]  }
0xcb: {  	v11 =	vld [tilespmem:s21+$0x8A30]  }
0xcc: {  	v3 =	vadd.f32 v4, v3;
	v4 =	vmul.f32 v5, v5;
	v5 =	vsub.f32 v8, v10;
	v8 =	vld [tilespmem:s21+$0xA40]  }
0xcd: {  	v10 =	vld [tilespmem:s21+$0x8A40]  }
0xce: {  	v3 =	vadd.f32 v4, v3;
	v4 =	vmul.f32 v5, v5;
	v5 =	vsub.f32 v7, v9;
	v7 =	vld [tilespmem:s21+$0xA50]  }
0xcf: {  	v9 =	vld [tilespmem:s21+$0x8A50]  }
0xd0: {  	v3 =	vadd.f32 v4, v3;
	v4 =	vmul.f32 v5, v5;
	v5 =	vsub.f32 v6, v11;
	v6 =	vld [tilespmem:s21+$0xA60]  }
0xd1: {  	v11 =	vld [tilespmem:s21+$0x8A60]  }
0xd2: {  	v3 =	vadd.f32 v4, v3;
	v4 =	vmul.f32 v5, v5;
	v5 =	vsub.f32 v8, v10;
	v8 =	vld [tilespmem:s21+$0xA70]  }
0xd3: {  	v10 =	vld [tilespmem:s21+$0x8A70]  }
0xd4: {  	v3 =	vadd.f32 v4, v3;
	v4 =	vmul.f32 v5, v5;
	v5 =	vsub.f32 v7, v9;
	v7 =	vld [tilespmem:s21+$0xE00]  }
0xd5: {  	v9 =	vld [tilespmem:s21+$0x8E00]  }
0xd6: {  	v3 =	vadd.f32 v4, v3;
	v4 =	vmul.f32 v5, v5;
	v5 =	vsub.f32 v6, v11;
	v6 =	vld [tilespmem:s21+$0xE10]  }
0xd7: {  	v11 =	vld [tilespmem:s21+$0x8E10]  }
0xd8: {  	v3 =	vadd.f32 v4, v3;
	v4 =	vmul.f32 v5, v5;
	v5 =	vsub.f32 v8, v10;
	v8 =	vld [tilespmem:s21+$0xE20]  }
0xd9: {  	v10 =	vld [tilespmem:s21+$0x8E20]  }
0xda: {  	v3 =	vadd.f32 v4, v3;
	v4 =	vmul.f32 v5, v5;
	v5 =	vsub.f32 v7, v9;
	v7 =	vld [tilespmem:s21+$0xE30]  }
0xdb: {  	v9 =	vld [tilespmem:s21+$0x8E30]  }
0xdc: {  	v3 =	vadd.f32 v4, v3;
	v4 =	vmul.f32 v5, v5;
	v5 =	vsub.f32 v6, v11;
	v11 =	vld [tilespmem:s21+$0xE40]  }
0xdd: {  	v12 =	vld [tilespmem:s21+$0x8E40]  }
0xde: {  	v4 =	vadd.f32 v4, v3;
	v6 =	vmul.f32 v5, v5;
	v8 =	vsub.f32 v8, v10;
	v3 =	vld [tilespmem:s21+$0xE50]  }
.Ltmp2:
0xdf: {  	v5 =	vld [tilespmem:s21+$0x8E50];
	(pc) =	sbr.rel @p0 .LBB2_3-.Ltmp2, $4  }
0xe0: {  	v10 =	vadd.f32 v6, v4;
	v8 =	vmul.f32 v8, v8;
	v7 =	vsub.f32 v7, v9;
	v4 =	vld [tilespmem:s21+$0xE60]  }
0xe1: {  	s20 =	sadd.s32 $0x80, s20;
	v6 =	vld [tilespmem:s21+$0x8E60]  }
0xe2: {  	s6 =	sand.u32 $0x3000, s22;
	s16 =	sand.u32 $0x380, s20;
	v9 =	vadd.f32 v8, v10;
	v10 =	vmul.f32 v7, v7;
	v11 =	vsub.f32 v11, v12;
	v7 =	vld [tilespmem:s21+$0xE70]  }
0xe3: {  	s22 =	sadd.s32 $0x200, s22;
	v8 =	vld [tilespmem:s21+$0x8E70];
	s21 =	sor.u32 s16, s6  }
0xe4: {  	v12 =	vld [tilespmem:s21+$0x200]  }
0xe5: {  	v15 =	vld [tilespmem:s21+$0x8200]  }
0xe6: {  	v20 =	vld [tilespmem:s21+$0x210]  }
0xe7: {  	v21 =	vld [tilespmem:s21+$0x8210]  }
0xe8: {  	v22 =	vld [tilespmem:s21+$0x220]  }
0xe9: {  	v28 =	vld [tilespmem:s21+$0x8220]  }
0xea: {  	v29 =	vld [tilespmem:s21+$0x230]  }
0xeb: {  	v30 =	vld [tilespmem:s21+$0x8230]  }
0xec: {  	v31 =	vld [tilespmem:s21+$0x240]  }
0xed: {  	v32 =	vld [tilespmem:s21+$0x8240]  }
0xee: {  	v33 =	vld [tilespmem:s21+$0x250]  }
0xef: {  	v34 =	vld [tilespmem:s21+$0x8250]  }
0xf0: {  	v35 =	vld [tilespmem:s21+$0x260]  }
0xf1: {  	v36 =	vld [tilespmem:s21+$0x8260]  }
0xf2: {  	v37 =	vld [tilespmem:s21+$0x270]  }
0xf3: {  	v38 =	vld [tilespmem:s21+$0x8270]  }
0xf4: {  	v39 =	vld [tilespmem:s21+$0x600]  }
0xf5: {  	v40 =	vld [tilespmem:s21+$0x8600]  }
0xf6: {  	v41 =	vld [tilespmem:s21+$0x610]  }
0xf7: {  	v42 =	vld [tilespmem:s21+$0x8610]  }
0xf8: {  	v43 =	vld [tilespmem:s21+$0x620]  }
0xf9: {  	v44 =	vld [tilespmem:s21+$0x8620]  }
0xfa: {  	v45 =	vld [tilespmem:s21+$0x630]  }
0xfb: {  	v46 =	vld [tilespmem:s21+$0x8630]  }
0xfc: {  	v47 =	vld [tilespmem:s21+$0x640]  }
0xfd: {  	v48 =	vld [tilespmem:s21+$0x8640]  }
0xfe: {  	v49 =	vld [tilespmem:s21+$0x650]  }
0xff: {  	v50 =	vld [tilespmem:s21+$0x8650]  }
0x100: {  	v51 =	vld [tilespmem:s21+$0x660]  }
0x101: {  	v52 =	vld [tilespmem:s21+$0x8660]  }
0x102: {  	v53 =	vld [tilespmem:s21+$0x670]  }
0x103: {  	v54 =	vld [tilespmem:s21+$0x8670]  }
0x104: {  	v55 =	vld [tilespmem:s21+$0xA00]  }
0x105: {  	v56 =	vld [tilespmem:s21+$0x8A00]  }
0x106: {  	v57 =	vld [tilespmem:s21+$0xA10]  }
0x107: {  	v58 =	vld [tilespmem:s21+$0x8A10]  }
0x108: {  	v59 =	vld [tilespmem:s21+$0xA20]  }
0x109: {  	v60 =	vld [tilespmem:s21+$0x8A20]  }
0x10a: {  	v27 =	vld [tilespmem:s21+$0xA30]  }
0x10b: {  	v61 =	vld [tilespmem:s21+$0x8A30]  }
0x10c: {  	v24 =	vld [tilespmem:s21+$0xA40]  }
0x10d: {  	v26 =	vld [tilespmem:s21+$0x8A40]  }
0x10e: {  	v16 =	vld [tilespmem:s21+$0xA50]  }
0x10f: {  	v18 =	vld [tilespmem:s21+$0x8A50]  }
0x110: {  	v14 =	vld [tilespmem:s21+$0xA60]  }
0x111: {  	v25 =	vld [tilespmem:s21+$0x8A60]  }
0x112: {  	v13 =	vld [tilespmem:s21+$0xA70]  }
0x113: {  	v9 =	vadd.f32 v10, v9;
	v10 =	vmul.f32 v11, v11;
	v3 =	vsub.f32 v3, v5;
	v23 =	vld [tilespmem:s21+$0x8A70]  }
0x114: {  	v17 =	vld [tilespmem:s21+$0x8E00]  }
0x115: {  	v19 =	vld [tilespmem:s21+$0x8E10];
	v5 =	vadd.f32 v10, v9;
	v3 =	vmul.f32 v3, v3;
	v4 =	vsub.f32 v4, v6  }
0x116: {  	v11 =	vld [tilespmem:s21+$0xE30]  }
0x117: {  	v6 =	vld [tilespmem:s21+$0xE00];
	v3 =	vadd.f32 v3, v5;
	v4 =	vmul.f32 v4, v4;
	v5 =	vsub.f32 v7, v8  }
0x118: {  	v9 =	vld [tilespmem:s21+$0xE10]  }
0x119: {  	v10 =	vld [tilespmem:s21+$0xE20];
	v7 =	vsub.f32 v12, v15;
	v3 =	vadd.f32 v4, v3;
	v4 =	vmul.f32 v5, v5  }
0x11a: {  	v12 =	vld [tilespmem:s21+$0x8E40]  }
0x11b: {  	v15 =	vld [tilespmem:s21+$0x8E60];
	v5 =	vmul.f32 v7, v7;
	v7 =	vsub.f32 v20, v21;
	v3 =	vadd.f32 v4, v3  }
0x11c: {  	v63 =	vsub.f32 v31, v32;
	v20 =	vld [tilespmem:s21+$0x8E20]  }
0x11d: {  	v21 =	vld [tilespmem:s21+$0x8E30];
	v3 =	vadd.f32 v5, v3;
	v5 =	vmul.f32 v7, v7;
	v7 =	vsub.f32 v22, v28  }
0x11e: {  	v8 =	vsub.f32 v29, v30;
	v4 =	vld [tilespmem:s21+$0xE40]  }
0x11f: {  	s20 =	sshll.u32 s19, $0x6;
	p0 =	seq.s32 s19, $0x7;
	v22 =	vmul.f32 v63, v63;
	v63 =	vld [tilespmem:s21+$0x8E70];
	v5 =	vadd.f32 v5, v3;
	v7 =	vmul.f32 v7, v7  }
0x120: {  	s6 =	sadd.s32 @!p0 $0x40, s20;
	v3 =	vld [tilespmem:s21+$0xE50]  }
0x121: {  	s6 =	sadd.s32 @!p0 s5, s6;
	v8 =	vmul.f32 v8, v8;
	v62 =	vadd.f32 v7, v5;
	v7 =	vld [tilespmem:s21+$0x8E50]  }
0x122: {  	s6 =	sshll.u32 @!p0 s6, $0x6;
	v5 =	vld [tilespmem:s21+$0xE60]  }
0x123: {  	s16 =	sadd.s32 @!p0 s1, s6;
	s6 =	simm.s32 @!p0 $0x0;
	v32 =	vadd.f32 v8, v62;
	v8 =	vld [tilespmem:s21+$0xE70];
	s21 =	simm.s32 @!p0 $0x200  }
0x124: {  	v34 =	vsub.f32 v33, v34;
	[tilespmem:s21], [sflag:$0x1] =	stream.linear.gather @!p0 [hbm4b:s16+s6], $0x4000, $0x38;
	[tilespmem:$0x10280] =	vst v63  }
0x125: {  	v31 =	vld @!p0 [tilespmem:s20+$0x40]  }
0x126: {  	v29 =	vmul.f32 v34, v34;
	v62 =	vsub.f32 v35, v36;
	v28 =	vadd.f32 v22, v32  }
0x127: {  	v37 =	vsub.f32 v37, v38  }
0x128: {  	v39 =	vsub.f32 v39, v40;
	v36 =	vmul.f32 v62, v62;
	v28 =	vadd.f32 v29, v28  }
0x129: {  	v42 =	vsub.f32 v41, v42;
	v33 =	vlaneseq.u32 @!p0;
	v38 =	vmul.f32 v37, v37  }
0x12a: {  	v40 =	vmul.f32 v39, v39;
	v28 =	vadd.f32 v36, v28;
	v32 =	vshll.u32 @!p0 v31, $0x2  }
0x12b: {  	v34 =	vshrl.u32 @!p0 v33, $0x3;
	v31 =	vand.u32 @!p0 $0x7, v31;
	v32 =	vand.u32 @!p0 $0xFFFFFFE0, v32  }
0x12c: {  	v28 =	vadd.f32 v38, v28;
	v31 =	vor.u32 @!p0 v31, v32;
	v32 =	vand.u32 @!p0 $0x7, v33  }
0x12d: {  	v34 =	vmul.u32 @!p0 $0x8, v34;
	v35 =	vperm.xlane @!p0 v31, v32  }
0x12e: {  	v30 =	vmul.f32 v42, v42;
	v28 =	vadd.f32 v40, v28  }
0x12f: {  	v44 =	vsub.f32 v43, v44;
	v35 =	vadd.s32 @!p0 v34, v35  }
0x130: {  	v28 =	vadd.f32 v30, v28;
	v30 =	vor.u32 @!p0 $0x8, v33  }
0x131: {  	v45 =	vsub.f32 v45, v46;
	v29 =	vmul.f32 v44, v44;
	v31 =	vperm.xlane @!p0 v31, v30  }
0x132: {  	vm1 =	vmmov @!p0 $0xffff;
	v46 =	vsub.f32 v47, v48  }
0x133: {  	s16 =	simm.s32 @!p0 $0x8200;
	v33 =	vmul.f32 v45, v45;
	v28 =	vadd.f32 v29, v28;
	v31 =	vadd.s32 @!p0 v34, v31  }
0x134: {  	[tilespmem:s16], [sflag:$0x3] =	stream.indirect_vreg.gather @!p0 [hbm4b:s2+s6], $0x80, v35, vm1, $0xb8;
	[tilespmem:$0x10280] =	vst v63  }
0x135: {  	v47 =	vsub.f32 v49, v50;
	v29 =	vmul.f32 v46, v46;
	v28 =	vadd.f32 v33, v28;
	s16 =	simm.s32 @!p0 $0x8A00  }
0x136: {  	[tilespmem:s16], [sflag:$0x3] =	stream.indirect_vreg.gather @!p0 [hbm4b:s9+s6], $0x80, v35, vm1, $0xb8;
	[tilespmem:$0x10280] =	vst v63  }
0x137: {  	v48 =	vsub.f32 v51, v52;
	v33 =	vmul.f32 v47, v47;
	v28 =	vadd.f32 v29, v28;
	s16 =	simm.s32 @!p0 $0x9200  }
0x138: {  	[tilespmem:s16], [sflag:$0x3] =	stream.indirect_vreg.gather @!p0 [hbm4b:s2+s6], $0x80, v31, vm1, $0xb8;
	[tilespmem:$0x10280] =	vst v63  }
0x139: {  	v49 =	vsub.f32 v53, v54;
	v29 =	vmul.f32 v48, v48;
	v28 =	vadd.f32 v33, v28;
	s16 =	simm.s32 @!p0 $0x9A00  }
0x13a: {  	[tilespmem:s16], [sflag:$0x3] =	stream.indirect_vreg.gather @!p0 [hbm4b:s9+s6], $0x80, v31, vm1, $0xb8;
	[tilespmem:$0x10280] =	vst v63  }
0x13b: {  	v51 =	vsub.f32 v55, v56;
	v50 =	vmul.f32 v49, v49;
	v28 =	vadd.f32 v29, v28;
	v33 =	vld @!p0 [tilespmem:s20+$0x50];
	_ =	sdelay $0x1  }
0x13c: {  	v52 =	vsub.f32 v57, v58;
	v31 =	vmul.f32 v51, v51;
	v28 =	vadd.f32 v50, v28;
	_ =	sdelay $0x1  }
0x13d: {  	v29 =	vmul.f32 v52, v52;
	v28 =	vadd.f32 v31, v28  }
0x13e: {  	v53 =	vsub.f32 v59, v60;
	v35 =	vshll.u32 @!p0 v33, $0x2  }
0x13f: {  	v28 =	vadd.f32 v29, v28;
	v29 =	vand.u32 @!p0 $0x7, v33;
	v33 =	vand.u32 @!p0 $0xFFFFFFE0, v35  }
0x140: {  	v29 =	vor.u32 @!p0 v29, v33  }
0x141: {  	v27 =	vsub.f32 v27, v61;
	v31 =	vmul.f32 v53, v53;
	v32 =	vperm.xlane @!p0 v29, v32  }
0x142: {  	v24 =	vsub.f32 v24, v26  }
0x143: {  	v54 =	vmul.f32 v27, v27;
	v28 =	vadd.f32 v31, v28;
	v27 =	vadd.s32 @!p0 v34, v32  }
0x144: {  	v16 =	vsub.f32 v16, v18  }
0x145: {  	v24 =	vmul.f32 v24, v24;
	v26 =	vadd.f32 v54, v28;
	v18 =	vperm.xlane @!p0 v29, v30  }
0x146: {  	v14 =	vsub.f32 v14, v25  }
0x147: {  	v16 =	vmul.f32 v16, v16;
	s16 =	simm.s32 @!p0 $0xA200;
	v24 =	vadd.f32 v24, v26;
	v18 =	vadd.s32 @!p0 v34, v18  }
0x148: {  	[tilespmem:s16], [sflag:$0x3] =	stream.indirect_vreg.gather @!p0 [hbm4b:s2+s6], $0x80, v27, vm1, $0xb8;
	[tilespmem:$0x10280] =	vst v63  }
0x149: {  	v13 =	vsub.f32 v13, v23;
	v14 =	vmul.f32 v14, v14;
	v16 =	vadd.f32 v16, v24;
	s16 =	simm.s32 @!p0 $0xAA00  }
0x14a: {  	[tilespmem:s16], [sflag:$0x3] =	stream.indirect_vreg.gather @!p0 [hbm4b:s9+s6], $0x80, v27, vm1, $0xb8;
	[tilespmem:$0x10280] =	vst v63  }
0x14b: {  	v13 =	vmul.f32 v13, v13;
	v6 =	vsub.f32 v6, v17;
	v14 =	vadd.f32 v14, v16;
	s16 =	simm.s32 @!p0 $0xB200  }
0x14c: {  	[tilespmem:s16], [sflag:$0x3] =	stream.indirect_vreg.gather @!p0 [hbm4b:s2+s6], $0x80, v18, vm1, $0xb8;
	[tilespmem:$0x10280] =	vst v63  }
0x14d: {  	v9 =	vsub.f32 v9, v19;
	v6 =	vmul.f32 v6, v6;
	v13 =	vadd.f32 v13, v14;
	s16 =	simm.s32 @!p0 $0xBA00  }
0x14e: {  	[tilespmem:s16], [sflag:$0x3] =	stream.indirect_vreg.gather @!p0 [hbm4b:s9+s6], $0x80, v18, vm1, $0xb8;
	[tilespmem:$0x10280] =	vst v63  }
0x14f: {  	v9 =	vmul.f32 v9, v9;
	v10 =	vsub.f32 v10, v20;
	v6 =	vadd.f32 v6, v13;
	_ =	swait.ge [sflag:s12], $0x4000  }
0x150: {  	[sflag:s12] =	ssyncset.done $0x0  }
0x151: {  	v10 =	vmul.f32 v10, v10;
	v6 =	vadd.f32 v9, v6;
	v9 =	vsub.f32 v11, v21;
	[sflag:s12] =	ssyncadd.s32 $0xFFFFC000  }
0x152: {  	s22 =	simm.s32 $0x0;
	_ =	swait.ge [sflag:s15], $0x4000  }
0x153: {  	s8 =	sand.u32 $0x3000, s22;
	v4 =	vsub.f32 v4, v12;
	s6 =	sand.u32 $0x380, s22;
	v6 =	vadd.f32 v10, v6;
	v9 =	vmul.f32 v9, v9;
	[sflag:s15] =	ssyncset.done $0x0  }
0x154: {  	s6 =	sor.u32 s6, s8;
	[sflag:s15] =	ssyncadd.s32 $0xFFFFC000  }
0x155: {  	v4 =	vmul.f32 v4, v4;
	v3 =	vsub.f32 v3, v7;
	v6 =	vadd.f32 v9, v6;
	v10 =	vld [tilespmem:s6+$0x4200]  }
0x156: {  	v7 =	vld [tilespmem:s6+$0xC200]  }
0x157: {  	v5 =	vsub.f32 v5, v15;
	v3 =	vmul.f32 v3, v3;
	v4 =	vadd.f32 v4, v6;
	v9 =	vld [tilespmem:s6+$0x4210]  }
0x158: {  	v6 =	vld [tilespmem:s6+$0xC210]  }
0x159: {  	v11 =	vld [tilespmem:s6+$0x4220];
	v3 =	vadd.f32 v3, v4;
	v4 =	vmul.f32 v5, v5;
	v5 =	vsub.f32 v8, v63  }
0x15a: {  	v8 =	vld [tilespmem:s6+$0xC220]  }
0x15b: {  	v55 =	vld [tilespmem:s6+$0x4230];
	v3 =	vadd.f32 v4, v3;
	v4 =	vmul.f32 v5, v5;
	v5 =	vsub.f32 v10, v7  }
0x15c: {  	v7 =	vld [tilespmem:s6+$0xC230]  }
0x15d: {  	v3 =	vadd.f32 v4, v3;
	v10 =	vld [tilespmem:s6+$0x4240];
	v4 =	vmul.f32 v5, v5;
	v5 =	vsub.f32 v9, v6  }
0x15e: {  	v6 =	vld [tilespmem:s6+$0xC240]  }
0x15f: {  	v9 =	vld [tilespmem:s6+$0x4250];
	v3 =	vadd.f32 v4, v3;
	v4 =	vmul.f32 v5, v5;
	v5 =	vsub.f32 v11, v8  }
0x160: {  	v8 =	vld [tilespmem:s6+$0xC250]  }
0x161: {  	v11 =	vld [tilespmem:s6+$0x4260];
	v3 =	vadd.f32 v4, v3;
	v4 =	vmul.f32 v5, v5;
	v5 =	vsub.f32 v55, v7  }
0x162: {  	v7 =	vld [tilespmem:s6+$0xC260]  }
0x163: {  	v56 =	vld [tilespmem:s6+$0x4270];
	v3 =	vadd.f32 v4, v3;
	v4 =	vmul.f32 v5, v5;
	v5 =	vsub.f32 v10, v6  }
0x164: {  	v6 =	vld [tilespmem:s6+$0xC270]  }
0x165: {  	v10 =	vld [tilespmem:s6+$0x4600];
	v3 =	vadd.f32 v4, v3;
	v4 =	vmul.f32 v5, v5;
	v5 =	vsub.f32 v9, v8  }
0x166: {  	v8 =	vld [tilespmem:s6+$0xC600]  }
0x167: {  	v9 =	vld [tilespmem:s6+$0x4610];
	v3 =	vadd.f32 v4, v3;
	v4 =	vmul.f32 v5, v5;
	v5 =	vsub.f32 v11, v7  }
0x168: {  	v7 =	vld [tilespmem:s6+$0xC610]  }
0x169: {  	v11 =	vld [tilespmem:s6+$0x4620];
	v3 =	vadd.f32 v4, v3;
	v4 =	vmul.f32 v5, v5;
	v5 =	vsub.f32 v56, v6  }
0x16a: {  	v6 =	vld [tilespmem:s6+$0xC620]  }
0x16b: {  	v57 =	vld [tilespmem:s6+$0x4630];
	v3 =	vadd.f32 v4, v3;
	v4 =	vmul.f32 v5, v5;
	v5 =	vsub.f32 v10, v8  }
0x16c: {  	v8 =	vld [tilespmem:s6+$0xC630]  }
0x16d: {  	v10 =	vld [tilespmem:s6+$0x4640];
	v3 =	vadd.f32 v4, v3;
	v4 =	vmul.f32 v5, v5;
	v5 =	vsub.f32 v9, v7  }
0x16e: {  	v7 =	vld [tilespmem:s6+$0xC640]  }
0x16f: {  	v9 =	vld [tilespmem:s6+$0x4650];
	v3 =	vadd.f32 v4, v3;
	v4 =	vmul.f32 v5, v5;
	v5 =	vsub.f32 v11, v6  }
0x170: {  	v6 =	vld [tilespmem:s6+$0xC650]  }
0x171: {  	v11 =	vld [tilespmem:s6+$0x4660];
	v3 =	vadd.f32 v4, v3;
	v4 =	vmul.f32 v5, v5;
	v5 =	vsub.f32 v57, v8  }
0x172: {  	v8 =	vld [tilespmem:s6+$0xC660]  }
0x173: {  	v58 =	vld [tilespmem:s6+$0x4670];
	v3 =	vadd.f32 v4, v3;
	v4 =	vmul.f32 v5, v5;
	v5 =	vsub.f32 v10, v7  }
0x174: {  	v7 =	vld [tilespmem:s6+$0xC670]  }
0x175: {  	v10 =	vld [tilespmem:s6+$0x4A00];
	v3 =	vadd.f32 v4, v3;
	v4 =	vmul.f32 v5, v5;
	v5 =	vsub.f32 v9, v6  }
0x176: {  	v6 =	vld [tilespmem:s6+$0xCA00]  }
0x177: {  	v9 =	vld [tilespmem:s6+$0x4A10];
	v3 =	vadd.f32 v4, v3;
	v4 =	vmul.f32 v5, v5;
	v5 =	vsub.f32 v11, v8  }
0x178: {  	v8 =	vld [tilespmem:s6+$0xCA10]  }
0x179: {  	v11 =	vld [tilespmem:s6+$0x4A20];
	v3 =	vadd.f32 v4, v3;
	v4 =	vmul.f32 v5, v5;
	v5 =	vsub.f32 v58, v7  }
0x17a: {  	v7 =	vld [tilespmem:s6+$0xCA20]  }
0x17b: {  	v59 =	vld [tilespmem:s6+$0x4A30];
	v3 =	vadd.f32 v4, v3;
	v4 =	vmul.f32 v5, v5;
	v5 =	vsub.f32 v10, v6  }
0x17c: {  	v6 =	vld [tilespmem:s6+$0xCA30]  }
0x17d: {  	v10 =	vld [tilespmem:s6+$0x4A40];
	v3 =	vadd.f32 v4, v3;
	v4 =	vmul.f32 v5, v5;
	v5 =	vsub.f32 v9, v8  }
0x17e: {  	v8 =	vld [tilespmem:s6+$0xCA40]  }
0x17f: {  	v9 =	vld [tilespmem:s6+$0x4A50];
	v3 =	vadd.f32 v4, v3;
	v4 =	vmul.f32 v5, v5;
	v5 =	vsub.f32 v11, v7  }
0x180: {  	v7 =	vld [tilespmem:s6+$0xCA50]  }
0x181: {  	v11 =	vld [tilespmem:s6+$0x4A60];
	v3 =	vadd.f32 v4, v3;
	v4 =	vmul.f32 v5, v5;
	v5 =	vsub.f32 v59, v6  }
0x182: {  	v6 =	vld [tilespmem:s6+$0xCA60]  }
0x183: {  	v60 =	vld [tilespmem:s6+$0x4A70];
	v3 =	vadd.f32 v4, v3;
	v4 =	vmul.f32 v5, v5;
	v5 =	vsub.f32 v10, v8  }
0x184: {  	v8 =	vld [tilespmem:s6+$0xCA70]  }
0x185: {  	v10 =	vld [tilespmem:s6+$0x4E00];
	v3 =	vadd.f32 v4, v3;
	v4 =	vmul.f32 v5, v5;
	v5 =	vsub.f32 v9, v7  }
0x186: {  	v7 =	vld [tilespmem:s6+$0xCE00]  }
0x187: {  	v9 =	vld [tilespmem:s6+$0x4E10];
	v3 =	vadd.f32 v4, v3;
	v4 =	vmul.f32 v5, v5;
	v5 =	vsub.f32 v11, v6  }
0x188: {  	v6 =	vld [tilespmem:s6+$0xCE10]  }
0x189: {  	v11 =	vld [tilespmem:s6+$0x4E20];
	v3 =	vadd.f32 v4, v3;
	v4 =	vmul.f32 v5, v5;
	v5 =	vsub.f32 v60, v8  }
0x18a: {  	v8 =	vld [tilespmem:s6+$0xCE20]  }
0x18b: {  	v61 =	vld [tilespmem:s6+$0x4E30];
	v3 =	vadd.f32 v4, v3;
	v4 =	vmul.f32 v5, v5;
	v5 =	vsub.f32 v10, v7  }
0x18c: {  	v7 =	vld [tilespmem:s6+$0xCE30]  }
0x18d: {  	v62 =	vld [tilespmem:s6+$0x4E40];
	v6 =	vsub.f32 v9, v6;
	v4 =	vadd.f32 v4, v3;
	v5 =	vmul.f32 v5, v5  }
0x18e: {  	v63 =	vld [tilespmem:s6+$0xCE40]  }
0x18f: {  	v3 =	vld [tilespmem:s6+$0x4E50];
	v6 =	vmul.f32 v6, v6;
	v8 =	vsub.f32 v11, v8;
	v9 =	vadd.f32 v5, v4  }
0x190: {  	v5 =	vld [tilespmem:s6+$0xCE50]  }
0x191: {  	v4 =	vld [tilespmem:s6+$0x4E60];
	v8 =	vmul.f32 v8, v8;
	v10 =	vsub.f32 v61, v7;
	v9 =	vadd.f32 v6, v9  }
0x192: {  	s21 =	simm.s32 $0x200;
	s22 =	simm.s32 $0x80;
	v6 =	vld [tilespmem:s6+$0xCE60]  }
0x193: {  	s16 =	sand.u32 $0x3000, s21;
	s8 =	sand.u32 $0x380, s22;
	v11 =	vsub.f32 v62, v63;
	v7 =	vld [tilespmem:s6+$0x4E70];
	v10 =	vmul.f32 v10, v10;
	v9 =	vadd.f32 v8, v9  }
0x194: {  	s21 =	sor.u32 s8, s16;
	s16 =	simm.s32 $0x400;
	v8 =	vld [tilespmem:s6+$0xCE70]  }
.LBB2_5:
0x195: {  	p1 =	sne.s32 s16, $0x3E00;
	v12 =	vld [tilespmem:s21+$0x4200];
	v9 =	vadd.f32 v10, v9;
	v10 =	vmul.f32 v11, v11;
	v3 =	vsub.f32 v3, v5  }
0x196: {  	v5 =	vld [tilespmem:s21+$0xC200]  }
0x197: {  	v11 =	vld [tilespmem:s21+$0x4210];
	v9 =	vadd.f32 v10, v9;
	v3 =	vmul.f32 v3, v3;
	v4 =	vsub.f32 v4, v6  }
0x198: {  	v6 =	vld [tilespmem:s21+$0xC210]  }
0x199: {  	v10 =	vld [tilespmem:s21+$0x4220];
	v3 =	vadd.f32 v3, v9;
	v4 =	vmul.f32 v4, v4;
	v7 =	vsub.f32 v7, v8  }
0x19a: {  	v8 =	vld [tilespmem:s21+$0xC220]  }
0x19b: {  	v5 =	vsub.f32 v12, v5;
	v9 =	vld [tilespmem:s21+$0x4230];
	v3 =	vadd.f32 v4, v3;
	v4 =	vmul.f32 v7, v7  }
0x19c: {  	v7 =	vld [tilespmem:s21+$0xC230]  }
0x19d: {  	v5 =	vmul.f32 v5, v5;
	v6 =	vsub.f32 v11, v6;
	v11 =	vld [tilespmem:s21+$0x4240];
	v3 =	vadd.f32 v4, v3  }
0x19e: {  	v4 =	vld [tilespmem:s21+$0xC240]  }
0x19f: {  	v3 =	vadd.f32 v5, v3;
	v5 =	vmul.f32 v6, v6;
	v6 =	vsub.f32 v10, v8;
	v8 =	vld [tilespmem:s21+$0x4250]  }
0x1a0: {  	v10 =	vld [tilespmem:s21+$0xC250]  }
0x1a1: {  	v3 =	vadd.f32 v5, v3;
	v5 =	vmul.f32 v6, v6;
	v6 =	vsub.f32 v9, v7;
	v7 =	vld [tilespmem:s21+$0x4260]  }
0x1a2: {  	v9 =	vld [tilespmem:s21+$0xC260]  }
0x1a3: {  	v3 =	vadd.f32 v5, v3;
	v5 =	vmul.f32 v6, v6;
	v4 =	vsub.f32 v11, v4;
	v6 =	vld [tilespmem:s21+$0x4270]  }
0x1a4: {  	v11 =	vld [tilespmem:s21+$0xC270]  }
0x1a5: {  	v3 =	vadd.f32 v5, v3;
	v4 =	vmul.f32 v4, v4;
	v5 =	vsub.f32 v8, v10;
	v8 =	vld [tilespmem:s21+$0x4600]  }
0x1a6: {  	v10 =	vld [tilespmem:s21+$0xC600]  }
0x1a7: {  	v3 =	vadd.f32 v4, v3;
	v4 =	vmul.f32 v5, v5;
	v5 =	vsub.f32 v7, v9;
	v7 =	vld [tilespmem:s21+$0x4610]  }
0x1a8: {  	v9 =	vld [tilespmem:s21+$0xC610]  }
0x1a9: {  	v3 =	vadd.f32 v4, v3;
	v4 =	vmul.f32 v5, v5;
	v5 =	vsub.f32 v6, v11;
	v6 =	vld [tilespmem:s21+$0x4620]  }
0x1aa: {  	v11 =	vld [tilespmem:s21+$0xC620]  }
0x1ab: {  	v3 =	vadd.f32 v4, v3;
	v4 =	vmul.f32 v5, v5;
	v5 =	vsub.f32 v8, v10;
	v8 =	vld [tilespmem:s21+$0x4630]  }
0x1ac: {  	v10 =	vld [tilespmem:s21+$0xC630]  }
0x1ad: {  	v3 =	vadd.f32 v4, v3;
	v4 =	vmul.f32 v5, v5;
	v5 =	vsub.f32 v7, v9;
	v7 =	vld [tilespmem:s21+$0x4640]  }
0x1ae: {  	v9 =	vld [tilespmem:s21+$0xC640]  }
0x1af: {  	v3 =	vadd.f32 v4, v3;
	v4 =	vmul.f32 v5, v5;
	v5 =	vsub.f32 v6, v11;
	v6 =	vld [tilespmem:s21+$0x4650]  }
0x1b0: {  	v11 =	vld [tilespmem:s21+$0xC650]  }
0x1b1: {  	v3 =	vadd.f32 v4, v3;
	v4 =	vmul.f32 v5, v5;
	v5 =	vsub.f32 v8, v10;
	v8 =	vld [tilespmem:s21+$0x4660]  }
0x1b2: {  	v10 =	vld [tilespmem:s21+$0xC660]  }
0x1b3: {  	v3 =	vadd.f32 v4, v3;
	v4 =	vmul.f32 v5, v5;
	v5 =	vsub.f32 v7, v9;
	v7 =	vld [tilespmem:s21+$0x4670]  }
0x1b4: {  	v9 =	vld [tilespmem:s21+$0xC670]  }
0x1b5: {  	v3 =	vadd.f32 v4, v3;
	v4 =	vmul.f32 v5, v5;
	v5 =	vsub.f32 v6, v11;
	v6 =	vld [tilespmem:s21+$0x4A00]  }
0x1b6: {  	v11 =	vld [tilespmem:s21+$0xCA00]  }
0x1b7: {  	v3 =	vadd.f32 v4, v3;
	v4 =	vmul.f32 v5, v5;
	v5 =	vsub.f32 v8, v10;
	v8 =	vld [tilespmem:s21+$0x4A10]  }
0x1b8: {  	v10 =	vld [tilespmem:s21+$0xCA10]  }
0x1b9: {  	v3 =	vadd.f32 v4, v3;
	v4 =	vmul.f32 v5, v5;
	v5 =	vsub.f32 v7, v9;
	v7 =	vld [tilespmem:s21+$0x4A20]  }
0x1ba: {  	v9 =	vld [tilespmem:s21+$0xCA20]  }
0x1bb: {  	v3 =	vadd.f32 v4, v3;
	v4 =	vmul.f32 v5, v5;
	v5 =	vsub.f32 v6, v11;
	v6 =	vld [tilespmem:s21+$0x4A30]  }
0x1bc: {  	v11 =	vld [tilespmem:s21+$0xCA30]  }
0x1bd: {  	v3 =	vadd.f32 v4, v3;
	v4 =	vmul.f32 v5, v5;
	v5 =	vsub.f32 v8, v10;
	v8 =	vld [tilespmem:s21+$0x4A40]  }
0x1be: {  	v10 =	vld [tilespmem:s21+$0xCA40]  }
0x1bf: {  	v3 =	vadd.f32 v4, v3;
	v4 =	vmul.f32 v5, v5;
	v5 =	vsub.f32 v7, v9;
	v7 =	vld [tilespmem:s21+$0x4A50]  }
0x1c0: {  	v9 =	vld [tilespmem:s21+$0xCA50]  }
0x1c1: {  	v3 =	vadd.f32 v4, v3;
	v4 =	vmul.f32 v5, v5;
	v5 =	vsub.f32 v6, v11;
	v6 =	vld [tilespmem:s21+$0x4A60]  }
0x1c2: {  	v11 =	vld [tilespmem:s21+$0xCA60]  }
0x1c3: {  	v3 =	vadd.f32 v4, v3;
	v4 =	vmul.f32 v5, v5;
	v5 =	vsub.f32 v8, v10;
	v8 =	vld [tilespmem:s21+$0x4A70]  }
0x1c4: {  	v10 =	vld [tilespmem:s21+$0xCA70]  }
0x1c5: {  	v3 =	vadd.f32 v4, v3;
	v4 =	vmul.f32 v5, v5;
	v5 =	vsub.f32 v7, v9;
	v7 =	vld [tilespmem:s21+$0x4E00]  }
0x1c6: {  	v9 =	vld [tilespmem:s21+$0xCE00]  }
0x1c7: {  	v3 =	vadd.f32 v4, v3;
	v4 =	vmul.f32 v5, v5;
	v5 =	vsub.f32 v6, v11;
	v6 =	vld [tilespmem:s21+$0x4E10]  }
0x1c8: {  	v11 =	vld [tilespmem:s21+$0xCE10]  }
0x1c9: {  	v3 =	vadd.f32 v4, v3;
	v4 =	vmul.f32 v5, v5;
	v5 =	vsub.f32 v8, v10;
	v8 =	vld [tilespmem:s21+$0x4E20]  }
0x1ca: {  	v10 =	vld [tilespmem:s21+$0xCE20]  }
0x1cb: {  	v3 =	vadd.f32 v4, v3;
	v4 =	vmul.f32 v5, v5;
	v5 =	vsub.f32 v7, v9;
	v7 =	vld [tilespmem:s21+$0x4E30]  }
0x1cc: {  	v9 =	vld [tilespmem:s21+$0xCE30]  }
0x1cd: {  	v3 =	vadd.f32 v4, v3;
	v4 =	vmul.f32 v5, v5;
	v5 =	vsub.f32 v6, v11;
	v11 =	vld [tilespmem:s21+$0x4E40]  }
0x1ce: {  	v12 =	vld [tilespmem:s21+$0xCE40]  }
0x1cf: {  	v4 =	vadd.f32 v4, v3;
	v6 =	vmul.f32 v5, v5;
	v8 =	vsub.f32 v8, v10;
	v3 =	vld [tilespmem:s21+$0x4E50]  }
.Ltmp3:
0x1d0: {  	v5 =	vld [tilespmem:s21+$0xCE50];
	(pc) =	sbr.rel @p1 .LBB2_5-.Ltmp3, $4  }
0x1d1: {  	v10 =	vadd.f32 v6, v4;
	v8 =	vmul.f32 v8, v8;
	v7 =	vsub.f32 v7, v9;
	v4 =	vld [tilespmem:s21+$0x4E60]  }
0x1d2: {  	s22 =	sadd.s32 $0x80, s22;
	v6 =	vld [tilespmem:s21+$0xCE60]  }
0x1d3: {  	s6 =	sand.u32 $0x3000, s16;
	s8 =	sand.u32 $0x380, s22;
	v9 =	vadd.f32 v8, v10;
	v10 =	vmul.f32 v7, v7;
	v11 =	vsub.f32 v11, v12;
	v7 =	vld [tilespmem:s21+$0x4E70]  }
0x1d4: {  	s16 =	sadd.s32 $0x200, s16;
	v8 =	vld [tilespmem:s21+$0xCE70];
	s21 =	sor.u32 s8, s6  }
0x1d5: {  	v12 =	vld [tilespmem:s21+$0x4200];
	v9 =	vadd.f32 v10, v9;
	v52 =	vmul.f32 v11, v11;
	v3 =	vsub.f32 v3, v5  }
0x1d6: {  	v5 =	vld [tilespmem:s21+$0xC200]  }
0x1d7: {  	v53 =	vld [tilespmem:s21+$0x4210];
	v9 =	vadd.f32 v52, v9;
	v3 =	vmul.f32 v3, v3;
	v4 =	vsub.f32 v4, v6  }
0x1d8: {  	v54 =	vld [tilespmem:s21+$0xC210]  }
0x1d9: {  	v55 =	vld [tilespmem:s21+$0x4220];
	v3 =	vadd.f32 v3, v9;
	v4 =	vmul.f32 v4, v4;
	v7 =	vsub.f32 v7, v8  }
0x1da: {  	v56 =	vld [tilespmem:s21+$0xC220]  }
0x1db: {  	v57 =	vld [tilespmem:s21+$0x4230];
	v5 =	vsub.f32 v12, v5;
	v3 =	vadd.f32 v4, v3;
	v4 =	vmul.f32 v7, v7  }
0x1dc: {  	v58 =	vld [tilespmem:s21+$0xC230]  }
0x1dd: {  	v59 =	vld [tilespmem:s21+$0x4240];
	v6 =	vsub.f32 v53, v54;
	v5 =	vmul.f32 v5, v5;
	v3 =	vadd.f32 v4, v3  }
0x1de: {  	v4 =	vld [tilespmem:s21+$0xC240]  }
0x1df: {  	v61 =	vld [tilespmem:s21+$0x4250];
	v60 =	vsub.f32 v55, v56;
	v3 =	vadd.f32 v5, v3;
	v5 =	vmul.f32 v6, v6  }
0x1e0: {  	v62 =	vld [tilespmem:s21+$0xC250]  }
0x1e1: {  	v13 =	vld [tilespmem:s21+$0xC260];
	v63 =	vsub.f32 v57, v58;
	v3 =	vadd.f32 v5, v3;
	v5 =	vmul.f32 v60, v60  }
0x1e2: {  	v12 =	vld [tilespmem:s21+$0x4260]  }
0x1e3: {  	v14 =	vld [tilespmem:s21+$0x4270];
	v4 =	vsub.f32 v59, v4;
	v3 =	vadd.f32 v5, v3;
	v5 =	vmul.f32 v63, v63  }
0x1e4: {  	v15 =	vld [tilespmem:s21+$0xC270]  }
0x1e5: {  	v16 =	vld [tilespmem:s21+$0x4600];
	v4 =	vmul.f32 v4, v4;
	v3 =	vadd.f32 v5, v3;
	v5 =	vsub.f32 v61, v62  }
0x1e6: {  	v17 =	vld [tilespmem:s21+$0xC600]  }
0x1e7: {  	v18 =	vld [tilespmem:s21+$0x4610];
	v3 =	vadd.f32 v4, v3;
	v4 =	vmul.f32 v5, v5;
	v5 =	vsub.f32 v12, v13  }
0x1e8: {  	v19 =	vld [tilespmem:s21+$0xC610]  }
0x1e9: {  	v20 =	vld [tilespmem:s21+$0x4620];
	v3 =	vadd.f32 v4, v3;
	v4 =	vmul.f32 v5, v5;
	v5 =	vsub.f32 v14, v15  }
0x1ea: {  	v21 =	vld [tilespmem:s21+$0xC620]  }
0x1eb: {  	v22 =	vld [tilespmem:s21+$0x4630];
	v3 =	vadd.f32 v4, v3;
	v4 =	vmul.f32 v5, v5;
	v5 =	vsub.f32 v16, v17  }
0x1ec: {  	v23 =	vld [tilespmem:s21+$0xC630]  }
0x1ed: {  	v24 =	vld [tilespmem:s21+$0x4640];
	v3 =	vadd.f32 v4, v3;
	v4 =	vmul.f32 v5, v5;
	v5 =	vsub.f32 v18, v19  }
0x1ee: {  	v25 =	vld [tilespmem:s21+$0xC640]  }
0x1ef: {  	v26 =	vld [tilespmem:s21+$0x4650];
	v3 =	vadd.f32 v4, v3;
	v4 =	vmul.f32 v5, v5;
	v5 =	vsub.f32 v20, v21  }
0x1f0: {  	v27 =	vld [tilespmem:s21+$0xC650]  }
0x1f1: {  	v28 =	vld [tilespmem:s21+$0x4660];
	v3 =	vadd.f32 v4, v3;
	v4 =	vmul.f32 v5, v5;
	v5 =	vsub.f32 v22, v23  }
0x1f2: {  	v29 =	vld [tilespmem:s21+$0xC660]  }
0x1f3: {  	v30 =	vld [tilespmem:s21+$0x4670];
	v3 =	vadd.f32 v4, v3;
	v4 =	vmul.f32 v5, v5;
	v5 =	vsub.f32 v24, v25  }
0x1f4: {  	v31 =	vld [tilespmem:s21+$0xC670]  }
0x1f5: {  	v32 =	vld [tilespmem:s21+$0x4A00];
	v3 =	vadd.f32 v4, v3;
	v4 =	vmul.f32 v5, v5;
	v5 =	vsub.f32 v26, v27  }
0x1f6: {  	v33 =	vld [tilespmem:s21+$0xCA00]  }
0x1f7: {  	v34 =	vld [tilespmem:s21+$0x4A10];
	v3 =	vadd.f32 v4, v3;
	v4 =	vmul.f32 v5, v5;
	v5 =	vsub.f32 v28, v29  }
0x1f8: {  	v35 =	vld [tilespmem:s21+$0xCA10]  }
0x1f9: {  	v36 =	vld [tilespmem:s21+$0x4A20];
	v3 =	vadd.f32 v4, v3;
	v4 =	vmul.f32 v5, v5;
	v5 =	vsub.f32 v30, v31  }
0x1fa: {  	v37 =	vld [tilespmem:s21+$0xCA20]  }
0x1fb: {  	v38 =	vld [tilespmem:s21+$0x4A30];
	v3 =	vadd.f32 v4, v3;
	v4 =	vmul.f32 v5, v5;
	v5 =	vsub.f32 v32, v33  }
0x1fc: {  	v39 =	vld [tilespmem:s21+$0xCA30]  }
0x1fd: {  	v40 =	vld [tilespmem:s21+$0x4A40];
	v3 =	vadd.f32 v4, v3;
	v4 =	vmul.f32 v5, v5;
	v5 =	vsub.f32 v34, v35  }
0x1fe: {  	v41 =	vld [tilespmem:s21+$0xCA40]  }
0x1ff: {  	v42 =	vld [tilespmem:s21+$0x4A50];
	v3 =	vadd.f32 v4, v3;
	v4 =	vmul.f32 v5, v5;
	v5 =	vsub.f32 v36, v37  }
0x200: {  	v43 =	vld [tilespmem:s21+$0xCA50]  }
0x201: {  	v44 =	vld [tilespmem:s21+$0x4A60];
	v3 =	vadd.f32 v4, v3;
	v4 =	vmul.f32 v5, v5;
	v5 =	vsub.f32 v38, v39  }
0x202: {  	v45 =	vld [tilespmem:s21+$0xCA60]  }
0x203: {  	v46 =	vld [tilespmem:s21+$0x4A70];
	v3 =	vadd.f32 v4, v3;
	v4 =	vmul.f32 v5, v5;
	v5 =	vsub.f32 v40, v41  }
0x204: {  	v47 =	vld [tilespmem:s21+$0xCA70]  }
0x205: {  	v48 =	vld [tilespmem:s21+$0x4E00];
	v3 =	vadd.f32 v4, v3;
	v4 =	vmul.f32 v5, v5;
	v5 =	vsub.f32 v42, v43  }
0x206: {  	v49 =	vld [tilespmem:s21+$0xCE00]  }
0x207: {  	v50 =	vld [tilespmem:s21+$0x4E10];
	v3 =	vadd.f32 v4, v3;
	v4 =	vmul.f32 v5, v5;
	v5 =	vsub.f32 v44, v45  }
0x208: {  	v51 =	vld [tilespmem:s21+$0xCE10]  }
0x209: {  	v52 =	vld [tilespmem:s21+$0x4E20];
	v3 =	vadd.f32 v4, v3;
	v4 =	vmul.f32 v5, v5;
	v5 =	vsub.f32 v46, v47  }
0x20a: {  	v53 =	vld [tilespmem:s21+$0xCE20]  }
0x20b: {  	v54 =	vld [tilespmem:s21+$0x4E30];
	v3 =	vadd.f32 v4, v3;
	v4 =	vmul.f32 v5, v5;
	v5 =	vsub.f32 v48, v49  }
0x20c: {  	v55 =	vld [tilespmem:s21+$0xCE30]  }
0x20d: {  	v56 =	vld [tilespmem:s21+$0x4E40];
	v3 =	vadd.f32 v4, v3;
	v4 =	vmul.f32 v5, v5;
	v5 =	vsub.f32 v50, v51  }
0x20e: {  	v57 =	vld [tilespmem:s21+$0xCE40]  }
0x20f: {  	v58 =	vld [tilespmem:s21+$0x4E50];
	v3 =	vadd.f32 v4, v3;
	v4 =	vmul.f32 v5, v5;
	v5 =	vsub.f32 v52, v53  }
0x210: {  	v59 =	vld [tilespmem:s21+$0xCE50]  }
0x211: {  	v60 =	vld [tilespmem:s21+$0x4E60];
	v3 =	vadd.f32 v4, v3;
	v4 =	vmul.f32 v5, v5;
	v5 =	vsub.f32 v54, v55  }
0x212: {  	v61 =	vld [tilespmem:s21+$0xCE60]  }
0x213: {  	v63 =	vld [tilespmem:s21+$0xCE70];
	v3 =	vadd.f32 v4, v3;
	v4 =	vmul.f32 v5, v5;
	v5 =	vsub.f32 v56, v57  }
0x214: {  	v62 =	vld [tilespmem:s21+$0x4E70]  }
0x215: {  	v3 =	vadd.f32 v4, v3;
	v4 =	vmul.f32 v5, v5;
	v5 =	vsub.f32 v58, v59;
	_ =	sdelay $0x1  }
0x216: {  	v3 =	vadd.f32 v4, v3;
	v4 =	vmul.f32 v5, v5;
	v5 =	vsub.f32 v60, v61;
	_ =	sdelay $0x1  }
.Ltmp4:
0x217: {  	v3 =	vadd.f32 v4, v3;
	v4 =	vmul.f32 v5, v5;
	v5 =	vsub.f32 v62, v63;
	(pc) =	sbr.rel @p0 .LBB2_8-.Ltmp4, $3  }
0x218: {  	_ = 	snop  }
0x219: {  	v3 =	vadd.f32 v4, v3;
	v4 =	vmul.f32 v5, v5;
	_ =	sdelay $0x1  }
0x21a: {  	v3 =	vadd.f32 v4, v3  }
0x21b: {  	s6 =	sadd.s32 $0x60, s20  }
0x21c: {  	s6 =	sadd.s32 s5, s6  }
0x21d: {  	s6 =	sshll.u32 s6, $0x6  }
0x21e: {  	s6 =	sadd.s32 s1, s6  }
0x21f: {  	[tilespmem:s13], [sflag:$0x2] =	stream.linear.gather [hbm4b:s6+s4], $0x4000, $0x38;
	[tilespmem:$0x10280] =	vst v63  }
0x220: {  	v4 =	vld [tilespmem:s20+$0x60];
	_ =	sdelay $0x4  }
0x221: {  	v5 =	vshll.u32 v4, $0x2  }
0x222: {  	v4 =	vand.u32 $0x7, v4;
	v5 =	vand.u32 $0xFFFFFFE0, v5  }
0x223: {  	v4 =	vor.u32 v4, v5  }
0x224: {  	v5 =	vperm.xlane v4, v0;
	_ =	sdelay $0x1  }
0x225: {  	v5 =	vadd.s32 v1, v5;
	_ =	sdelay $0x1  }
0x226: {  	v4 =	vperm.xlane v4, v2;
	_ =	sdelay $0x1  }
0x227: {  	v4 =	vadd.s32 v1, v4  }
0x228: {  	[tilespmem:s23], [sflag:$0x4] =	stream.indirect_vreg.gather [hbm4b:s2+s4], $0x80, v5, vm0, $0xb8;
	[tilespmem:$0x10280] =	vst v63  }
0x229: {  	_ = 	snop  }
0x22a: {  	[tilespmem:s24], [sflag:$0x4] =	stream.indirect_vreg.gather [hbm4b:s9+s4], $0x80, v5, vm0, $0xb8;
	[tilespmem:$0x10280] =	vst v63  }
0x22b: {  	_ = 	snop  }
0x22c: {  	[tilespmem:s25], [sflag:$0x4] =	stream.indirect_vreg.gather [hbm4b:s2+s4], $0x80, v4, vm0, $0xb8;
	[tilespmem:$0x10280] =	vst v63  }
0x22d: {  	_ = 	snop  }
0x22e: {  	[tilespmem:s26], [sflag:$0x4] =	stream.indirect_vreg.gather [hbm4b:s9+s4], $0x80, v4, vm0, $0xb8;
	[tilespmem:$0x10280] =	vst v63  }
0x22f: {  	v4 =	vld [tilespmem:s20+$0x70];
	_ =	sdelay $0x4  }
0x230: {  	v5 =	vshll.u32 v4, $0x2  }
0x231: {  	v4 =	vand.u32 $0x7, v4;
	v5 =	vand.u32 $0xFFFFFFE0, v5  }
0x232: {  	v4 =	vor.u32 v4, v5  }
0x233: {  	v5 =	vperm.xlane v4, v0;
	_ =	sdelay $0x1  }
0x234: {  	v5 =	vadd.s32 v1, v5;
	_ =	sdelay $0x2  }
0x235: {  	v4 =	vperm.xlane v4, v2;
	_ =	sdelay $0x1  }
0x236: {  	v4 =	vadd.s32 v1, v4;
	[tilespmem:s28], [sflag:$0x4] =	stream.indirect_vreg.gather [hbm4b:s2+s4], $0x80, v5, vm0, $0xb8;
	[tilespmem:$0x10280] =	vst v63  }
0x237: {  	_ = 	snop  }
0x238: {  	[tilespmem:s29], [sflag:$0x4] =	stream.indirect_vreg.gather [hbm4b:s9+s4], $0x80, v5, vm0, $0xb8;
	[tilespmem:$0x10280] =	vst v63  }
.Ltmp5:
0x239: {  	_ = 	snop;
	(pc) =	sbr.rel .LBB2_2-.Ltmp5, $4  }
0x23a: {  	_ = 	snop  }
0x23b: {  	[tilespmem:s30], [sflag:$0x4] =	stream.indirect_vreg.gather [hbm4b:s2+s4], $0x80, v4, vm0, $0xb8;
	[tilespmem:$0x10280] =	vst v63  }
0x23c: {  	s19 =	sadd.s32 $0x1, s19  }
0x23d: {  	[tilespmem:s31], [sflag:$0x4] =	stream.indirect_vreg.gather [hbm4b:s9+s4], $0x80, v4, vm0, $0xb8;
	[tilespmem:$0x10280] =	vst v63  }
.LBB2_9:
0x23e: {  	_ =	sfence.sel $0x180000  }
0x23f: {  	[bflag:$0x0] =	sbarrier.arrive $0xFFFF  }
0x240: {  	_ =	strace $0x90000047  }
0x241: {  	s0 =	stileid.u32;
	[bflag:$0x2] =	sbarrier.arrive $0xFFFF  }
0x242: {  	p0 =	sne.s32 s0, $0x0;
	s0 =	rddreg [dreg:$0x4]  }
0x243: {  	s0 =	sadd.s32 @!p0 $0x100000, s0  }
0x244: {  	[sflag:s0] =	ssyncadd.tile.s32 @!p0 $0x1;
	_ =	shalt  }
.Lfunc_end2:
_tile_overlayer_lowered:
.L_overlay_start_2:
0x245: {  	(tag) =	ssettag $0x2  }
0x246: {  	s0 =	rddreg [dreg:$0x0];
	s2 =	stileid.u32  }
0x247: {  	s1 =	rddreg [dreg:$0x1];
	p0 =	sne.s32 s2, $0x0  }
0x248: {  	s3 =	rddreg [dreg:$0x2];
	[bflag:$0x3] =	sbarrier.arrive $0xFFFF;
	s2 =	simm.s32 @!p0 $0x1C06  }
0x249: {  	[timem:s3], [sflag:s2] =	dma.local @!p0 [hbm:s0], s1  }
0x24a: {  	s0 =	simm.s32 @!p0 $0x6  }
0x24b: {  	_ =	swait.ge @!p0 [sflag:s0], s1  }
0x24c: {  	s1 =	ssub.s32 @!p0 $0x0, s1;
	[sflag:s0] =	ssyncset.done @!p0 $0x0  }
0x24d: {  	[sflag:s0] =	ssyncadd.s32 @!p0 s1  }
0x24e: {  	[bflag:$0x3] =	sbarrier.arrive $0xFFFF  }
0x24f: {  	_ =	shalt  }

</sc_bundles>
